<compile_context>
chip_gen: v7x
topology: tpu7x:2x2x1
jax: 0.10.2.dev20260603
libtpu: 0.0.44.dev20260713+nightly
codegen_flags: <defaults>
</compile_context>

<pallas_src>
import functools

import jax
import jax.numpy as jnp
from jax import lax
from jax.experimental import pallas as pl
from jax.experimental.pallas import tpu as pltpu
from jax.experimental.pallas import tpu_sc as plsc

_NC = 2
_NS = 16
_NW = _NC * _NS
_B = 16384
_D = 32
_BPW = _B // _NW
_G = 8
_NG = _BPW // _G

_mesh = plsc.VectorSubcoreMesh(core_axis_name="c", subcore_axis_name="s")


@functools.partial(
    pl.kernel,
    mesh=_mesh,
    out_type=jax.ShapeDtypeStruct((_D, _B), jnp.float32),
    scratch_types=[
        pltpu.VMEM((_BPW,), jnp.int32),
        pltpu.VMEM((_D, _G * 128), jnp.float32),
        pltpu.VMEM((_D, _G * 128), jnp.float32),
        pltpu.VMEM((_D, _BPW), jnp.float32),
        pltpu.SemaphoreType.DMA,
        pltpu.SemaphoreType.DMA,
        pltpu.SemaphoreType.DMA,
    ],
    compiler_params=pltpu.CompilerParams(needs_layout_passes=False),
)
def _gather(tab_t, idx_hbm, out_t, idx_v, blk0, blk1, cols_v, isem, sem0, sem1):
    wid = lax.axis_index("s") * _NC + lax.axis_index("c")
    base = wid * _BPW
    pltpu.async_copy(idx_hbm.at[pl.ds(base, _BPW)], idx_v, isem).wait()

    lane = lax.iota(jnp.int32, 16)

    def fire(vec16, j0, blk, sem):
        for j in range(_G):
            rb = pl.multiple_of((vec16[j0 + j] >> 7) * 128, 128)
            pltpu.async_copy(
                tab_t.at[:, pl.ds(rb, 128)],
                blk.at[:, pl.ds(j * 128, 128)],
                sem,
            )

    def drain(blk, sem):
        pltpu.make_async_copy(tab_t.at[:, pl.ds(0, _G * 128)], blk, sem).wait()

    def extract(g, vec16, j0, blk):
        lvec = vec16 & 127
        for j in range(_G):
            pos = jnp.full((16,), j * 128 + lvec[j0 + j], jnp.int32)
            slot = jnp.full((16,), g * _G + j, jnp.int32)
            lo = plsc.load_gather(blk, [lane, pos])
            hi = plsc.load_gather(blk, [lane + 16, pos])
            plsc.store_scatter(cols_v, [lane, slot], lo)
            plsc.store_scatter(cols_v, [lane + 16, slot], hi)

    fire(idx_v[pl.ds(0, 16)], 0, blk0, sem0)

    def pair(p, carry):
        g0 = p * 2
        vec16 = idx_v[pl.ds(p * 16, 16)]
        fire(vec16, _G, blk1, sem1)
        drain(blk0, sem0)
        extract(g0, vec16, 0, blk0)

        @pl.when(p < _NG // 2 - 1)
        def _():
            fire(idx_v[pl.ds(p * 16 + 16, 16)], 0, blk0, sem0)

        drain(blk1, sem1)
        extract(g0 + 1, vec16, _G, blk1)
        return carry

    lax.fori_loop(0, _NG // 2, pair, 0)
    pltpu.sync_copy(cols_v, out_t.at[:, pl.ds(base, _BPW)])


def kernel(x, el):
    return _gather(x.T, el.astype(jnp.int32)).T

# --- scband reference (transcript-rebuilt; emitter-appended) ---
"""Pipeline reference for scband-torch-ops-aten-index-list-tensor-module-53987738910894 (READ-ONLY COPY).

The authoritative reference and input builder live on the scoring server;
editing this copy changes nothing except your own understanding.
"""

import jax, jax.numpy as jnp
import numpy as np


def setup_inputs(seed: int = 0) -> dict:
    key = jax.random.key(seed)
    k1, k2 = jax.random.split(key)
    x = jax.random.normal(k1, (1000000, 32), dtype=jnp.float32)
    el = jax.random.randint(k2, (16384,), 0, 1000000)
    return {"x": x, "el": el}


def reference(x, el):
    # aten.index.list_Tensor(x, [el]) with a single int index tensor is
    # advanced indexing along dim 0: x[el]
    return jnp.take(x, el, axis=0)

if __name__ == "__main__":
    import jax
    _d = setup_inputs()
    print(jax.jit(kernel)(*tuple(_d.values())))

</pallas_src>

<mosaic_0001>
#map = affine_map<(d0, d1) -> (0, 0)>
#map1 = affine_map<(d0, d1) -> (0)>
module attributes {stable_mosaic.version = 14 : i64} {
  func.func @_gather(%arg0: i32, %arg1: i32, %arg2: memref<32x1000000xf32, #tpu.memory_space<hbm>>, %arg3: memref<16384xi32, #tpu.memory_space<hbm>>, %arg4: memref<32x16384xf32, #tpu.memory_space<hbm>>, %arg5: memref<512xi32, #tpu.memory_space<vmem>>, %arg6: memref<32x1024xf32, #tpu.memory_space<vmem>>, %arg7: memref<32x1024xf32, #tpu.memory_space<vmem>>, %arg8: memref<32x512xf32, #tpu.memory_space<vmem>>, %arg9: memref<!tpu.dma_semaphore, #tpu.memory_space<semaphore_mem>>, %arg10: memref<!tpu.dma_semaphore, #tpu.memory_space<semaphore_mem>>, %arg11: memref<!tpu.dma_semaphore, #tpu.memory_space<semaphore_mem>>) attributes {dimension_semantics = [#tpu.dimension_semantics<core_parallel>, #tpu.dimension_semantics<subcore_parallel>], iteration_bounds = array<i64: 2, 16>, scalar_prefetch = 0 : i64, scratch_operands = 7 : i64, tpu.core_type = #tpu.core_type<sc_vector_subcore>, window_params = [{transform_indices = #map}, {transform_indices = #map1}, {transform_indices = #map}]} {
    %mul3A = arith.constant 2 : i32
    %mul3A_0 = arith.muli %arg1, %mul3A : i32
    %add3A = arith.addi %mul3A_0, %arg0 : i32
    %mul3A_1 = arith.constant 512 : i32
    %mul3A_2 = arith.muli %add3A, %mul3A_1 : i32
    %dma_start3A = tpu.memref_slice %arg3[%mul3A_2] : memref<16384xi32, #tpu.memory_space<hbm>> -> memref<512xi32, #tpu.memory_space<hbm>>
    %dma_start3A_3 = tpu.memref_slice %arg3[%mul3A_2] : memref<16384xi32, #tpu.memory_space<hbm>> -> memref<512xi32, #tpu.memory_space<hbm>>
    tpu.enqueue_dma source(%dma_start3A_3 : memref<512xi32, #tpu.memory_space<hbm>>) target(%arg5 : memref<512xi32, #tpu.memory_space<vmem>>) target_semaphore(%arg9 : memref<!tpu.dma_semaphore, #tpu.memory_space<semaphore_mem>>)
    %dma_wait3A = tpu.memref_slice %arg3[%mul3A_2] : memref<16384xi32, #tpu.memory_space<hbm>> -> memref<512xi32, #tpu.memory_space<hbm>>
    %dma_wait3A_4 = tpu.memref_slice %arg3[%mul3A_2] : memref<16384xi32, #tpu.memory_space<hbm>> -> memref<512xi32, #tpu.memory_space<hbm>>
    tpu.wait_dma2 semaphore(%arg9 : memref<!tpu.dma_semaphore, #tpu.memory_space<semaphore_mem>>) src(%dma_wait3A_4 : memref<512xi32, #tpu.memory_space<hbm>>) dst(%arg5 : memref<512xi32, #tpu.memory_space<vmem>>)
    %iota3A = tpu.iota {dimensions = array<i32: 0>} : vector<16xi32>
    %get3A = arith.constant 0 : index
    %get3A_5 = tpu.vector_load %arg5[%get3A] {strides = array<i32>} : memref<512xi32, #tpu.memory_space<vmem>>, vector<16xi32>,
    %slice3A = vector.extract_strided_slice %get3A_5 {offsets = [0], sizes = [1], strides = [1]} : vector<16xi32> to vector<1xi32>
    %squeeze3A = vector.extract %slice3A[0] : i32 from vector<1xi32>
    %shift_right_arithmetic3A = arith.constant 7 : i32
    %shift_right_arithmetic3A_6 = arith.shrsi %squeeze3A, %shift_right_arithmetic3A : i32
    %mul3A_7 = arith.constant 128 : i32
    %mul3A_8 = arith.muli %shift_right_arithmetic3A_6, %mul3A_7 : i32
    %multiple_of3A = tpu.assume_multiple %mul3A_8, 128 : i32
    %dma_start3A_9 = arith.constant 0 : i32
    %dma_start3A_10 = arith.constant 0 : i32
    %dma_start3A_11 = tpu.memref_slice %arg6[%dma_start3A_9, %dma_start3A_10] : memref<32x1024xf32, #tpu.memory_space<vmem>> -> memref<32x128xf32, #tpu.memory_space<vmem>>
    %dma_start3A_12 = arith.constant 0 : i32
    %dma_start3A_13 = tpu.memref_slice %arg2[%dma_start3A_12, %multiple_of3A] : memref<32x1000000xf32, #tpu.memory_space<hbm>> -> memref<32x128xf32, #tpu.memory_space<hbm>>
    %dma_start3A_14 = arith.constant 0 : i32
    %dma_start3A_15 = arith.constant 0 : i32
    %dma_start3A_16 = tpu.memref_slice %arg6[%dma_start3A_14, %dma_start3A_15] : memref<32x1024xf32, #tpu.memory_space<vmem>> -> memref<32x128xf32, #tpu.memory_space<vmem>>
    %dma_start3A_17 = arith.constant 0 : i32
    %dma_start3A_18 = tpu.memref_slice %arg2[%dma_start3A_17, %multiple_of3A] : memref<32x1000000xf32, #tpu.memory_space<hbm>> -> memref<32x128xf32, #tpu.memory_space<hbm>>
    tpu.enqueue_dma source(%dma_start3A_18 : memref<32x128xf32, #tpu.memory_space<hbm>>) target(%dma_start3A_16 : memref<32x128xf32, #tpu.memory_space<vmem>>) target_semaphore(%arg10 : memref<!tpu.dma_semaphore, #tpu.memory_space<semaphore_mem>>)
    %slice3A_19 = vector.extract_strided_slice %get3A_5 {offsets = [1], sizes = [1], strides = [1]} : vector<16xi32> to vector<1xi32>
    %squeeze3A_20 = vector.extract %slice3A_19[0] : i32 from vector<1xi32>
    %shift_right_arithmetic3A_21 = arith.constant 7 : i32
    %shift_right_arithmetic3A_22 = arith.shrsi %squeeze3A_20, %shift_right_arithmetic3A_21 : i32
    %mul3A_23 = arith.constant 128 : i32
    %mul3A_24 = arith.muli %shift_right_arithmetic3A_22, %mul3A_23 : i32
    %multiple_of3A_25 = tpu.assume_multiple %mul3A_24, 128 : i32
    %dma_start3A_26 = arith.constant 0 : i32
    %dma_start3A_27 = arith.constant 128 : i32
    %dma_start3A_28 = tpu.memref_slice %arg6[%dma_start3A_26, %dma_start3A_27] : memref<32x1024xf32, #tpu.memory_space<vmem>> -> memref<32x128xf32, #tpu.memory_space<vmem>>
    %dma_start3A_29 = arith.constant 0 : i32
    %dma_start3A_30 = tpu.memref_slice %arg2[%dma_start3A_29, %multiple_of3A_25] : memref<32x1000000xf32, #tpu.memory_space<hbm>> -> memref<32x128xf32, #tpu.memory_space<hbm>>
    %dma_start3A_31 = arith.constant 0 : i32
    %dma_start3A_32 = arith.constant 128 : i32
    %dma_start3A_33 = tpu.memref_slice %arg6[%dma_start3A_31, %dma_start3A_32] : memref<32x1024xf32, #tpu.memory_space<vmem>> -> memref<32x128xf32, #tpu.memory_space<vmem>>
    %dma_start3A_34 = arith.constant 0 : i32
    %dma_start3A_35 = tpu.memref_slice %arg2[%dma_start3A_34, %multiple_of3A_25] : memref<32x1000000xf32, #tpu.memory_space<hbm>> -> memref<32x128xf32, #tpu.memory_space<hbm>>
    tpu.enqueue_dma source(%dma_start3A_35 : memref<32x128xf32, #tpu.memory_space<hbm>>) target(%dma_start3A_33 : memref<32x128xf32, #tpu.memory_space<vmem>>) target_semaphore(%arg10 : memref<!tpu.dma_semaphore, #tpu.memory_space<semaphore_mem>>)
    %slice3A_36 = vector.extract_strided_slice %get3A_5 {offsets = [2], sizes = [1], strides = [1]} : vector<16xi32> to vector<1xi32>
    %squeeze3A_37 = vector.extract %slice3A_36[0] : i32 from vector<1xi32>
    %shift_right_arithmetic3A_38 = arith.constant 7 : i32
    %shift_right_arithmetic3A_39 = arith.shrsi %squeeze3A_37, %shift_right_arithmetic3A_38 : i32
    %mul3A_40 = arith.constant 128 : i32
    %mul3A_41 = arith.muli %shift_right_arithmetic3A_39, %mul3A_40 : i32
    %multiple_of3A_42 = tpu.assume_multiple %mul3A_41, 128 : i32
    %dma_start3A_43 = arith.constant 0 : i32
    %dma_start3A_44 = arith.constant 256 : i32
    %dma_start3A_45 = tpu.memref_slice %arg6[%dma_start3A_43, %dma_start3A_44] : memref<32x1024xf32, #tpu.memory_space<vmem>> -> memref<32x128xf32, #tpu.memory_space<vmem>>
    %dma_start3A_46 = arith.constant 0 : i32
    %dma_start3A_47 = tpu.memref_slice %arg2[%dma_start3A_46, %multiple_of3A_42] : memref<32x1000000xf32, #tpu.memory_space<hbm>> -> memref<32x128xf32, #tpu.memory_space<hbm>>
    %dma_start3A_48 = arith.constant 0 : i32
    %dma_start3A_49 = arith.constant 256 : i32
    %dma_start3A_50 = tpu.memref_slice %arg6[%dma_start3A_48, %dma_start3A_49] : memref<32x1024xf32, #tpu.memory_space<vmem>> -> memref<32x128xf32, #tpu.memory_space<vmem>>
    %dma_start3A_51 = arith.constant 0 : i32
    %dma_start3A_52 = tpu.memref_slice %arg2[%dma_start3A_51, %multiple_of3A_42] : memref<32x1000000xf32, #tpu.memory_space<hbm>> -> memref<32x128xf32, #tpu.memory_space<hbm>>
    tpu.enqueue_dma source(%dma_start3A_52 : memref<32x128xf32, #tpu.memory_space<hbm>>) target(%dma_start3A_50 : memref<32x128xf32, #tpu.memory_space<vmem>>) target_semaphore(%arg10 : memref<!tpu.dma_semaphore, #tpu.memory_space<semaphore_mem>>)
    %slice3A_53 = vector.extract_strided_slice %get3A_5 {offsets = [3], sizes = [1], strides = [1]} : vector<16xi32> to vector<1xi32>
    %squeeze3A_54 = vector.extract %slice3A_53[0] : i32 from vector<1xi32>
    %shift_right_arithmetic3A_55 = arith.constant 7 : i32
    %shift_right_arithmetic3A_56 = arith.shrsi %squeeze3A_54, %shift_right_arithmetic3A_55 : i32
    %mul3A_57 = arith.constant 128 : i32
    %mul3A_58 = arith.muli %shift_right_arithmetic3A_56, %mul3A_57 : i32
    %multiple_of3A_59 = tpu.assume_multiple %mul3A_58, 128 : i32
    %dma_start3A_60 = arith.constant 0 : i32
    %dma_start3A_61 = arith.constant 384 : i32
    %dma_start3A_62 = tpu.memref_slice %arg6[%dma_start3A_60, %dma_start3A_61] : memref<32x1024xf32, #tpu.memory_space<vmem>> -> memref<32x128xf32, #tpu.memory_space<vmem>>
    %dma_start3A_63 = arith.constant 0 : i32
    %dma_start3A_64 = tpu.memref_slice %arg2[%dma_start3A_63, %multiple_of3A_59] : memref<32x1000000xf32, #tpu.memory_space<hbm>> -> memref<32x128xf32, #tpu.memory_space<hbm>>
    %dma_start3A_65 = arith.constant 0 : i32
    %dma_start3A_66 = arith.constant 384 : i32
    %dma_start3A_67 = tpu.memref_slice %arg6[%dma_start3A_65, %dma_start3A_66] : memref<32x1024xf32, #tpu.memory_space<vmem>> -> memref<32x128xf32, #tpu.memory_space<vmem>>
    %dma_start3A_68 = arith.constant 0 : i32
    %dma_start3A_69 = tpu.memref_slice %arg2[%dma_start3A_68, %multiple_of3A_59] : memref<32x1000000xf32, #tpu.memory_space<hbm>> -> memref<32x128xf32, #tpu.memory_space<hbm>>
    tpu.enqueue_dma source(%dma_start3A_69 : memref<32x128xf32, #tpu.memory_space<hbm>>) target(%dma_start3A_67 : memref<32x128xf32, #tpu.memory_space<vmem>>) target_semaphore(%arg10 : memref<!tpu.dma_semaphore, #tpu.memory_space<semaphore_mem>>)
    %slice3A_70 = vector.extract_strided_slice %get3A_5 {offsets = [4], sizes = [1], strides = [1]} : vector<16xi32> to vector<1xi32>
    %squeeze3A_71 = vector.extract %slice3A_70[0] : i32 from vector<1xi32>
    %shift_right_arithmetic3A_72 = arith.constant 7 : i32
    %shift_right_arithmetic3A_73 = arith.shrsi %squeeze3A_71, %shift_right_arithmetic3A_72 : i32
    %mul3A_74 = arith.constant 128 : i32
    %mul3A_75 = arith.muli %shift_right_arithmetic3A_73, %mul3A_74 : i32
    %multiple_of3A_76 = tpu.assume_multiple %mul3A_75, 128 : i32
    %dma_start3A_77 = arith.constant 0 : i32
    %dma_start3A_78 = arith.constant 512 : i32
    %dma_start3A_79 = tpu.memref_slice %arg6[%dma_start3A_77, %dma_start3A_78] : memref<32x1024xf32, #tpu.memory_space<vmem>> -> memref<32x128xf32, #tpu.memory_space<vmem>>
    %dma_start3A_80 = arith.constant 0 : i32
    %dma_start3A_81 = tpu.memref_slice %arg2[%dma_start3A_80, %multiple_of3A_76] : memref<32x1000000xf32, #tpu.memory_space<hbm>> -> memref<32x128xf32, #tpu.memory_space<hbm>>
    %dma_start3A_82 = arith.constant 0 : i32
    %dma_start3A_83 = arith.constant 512 : i32
    %dma_start3A_84 = tpu.memref_slice %arg6[%dma_start3A_82, %dma_start3A_83] : memref<32x1024xf32, #tpu.memory_space<vmem>> -> memref<32x128xf32, #tpu.memory_space<vmem>>
    %dma_start3A_85 = arith.constant 0 : i32
    %dma_start3A_86 = tpu.memref_slice %arg2[%dma_start3A_85, %multiple_of3A_76] : memref<32x1000000xf32, #tpu.memory_space<hbm>> -> memref<32x128xf32, #tpu.memory_space<hbm>>
    tpu.enqueue_dma source(%dma_start3A_86 : memref<32x128xf32, #tpu.memory_space<hbm>>) target(%dma_start3A_84 : memref<32x128xf32, #tpu.memory_space<vmem>>) target_semaphore(%arg10 : memref<!tpu.dma_semaphore, #tpu.memory_space<semaphore_mem>>)
    %slice3A_87 = vector.extract_strided_slice %get3A_5 {offsets = [5], sizes = [1], strides = [1]} : vector<16xi32> to vector<1xi32>
    %squeeze3A_88 = vector.extract %slice3A_87[0] : i32 from vector<1xi32>
    %shift_right_arithmetic3A_89 = arith.constant 7 : i32
    %shift_right_arithmetic3A_90 = arith.shrsi %squeeze3A_88, %shift_right_arithmetic3A_89 : i32
    %mul3A_91 = arith.constant 128 : i32
    %mul3A_92 = arith.muli %shift_right_arithmetic3A_90, %mul3A_91 : i32
    %multiple_of3A_93 = tpu.assume_multiple %mul3A_92, 128 : i32
    %dma_start3A_94 = arith.constant 0 : i32
    %dma_start3A_95 = arith.constant 640 : i32
    %dma_start3A_96 = tpu.memref_slice %arg6[%dma_start3A_94, %dma_start3A_95] : memref<32x1024xf32, #tpu.memory_space<vmem>> -> memref<32x128xf32, #tpu.memory_space<vmem>>
    %dma_start3A_97 = arith.constant 0 : i32
    %dma_start3A_98 = tpu.memref_slice %arg2[%dma_start3A_97, %multiple_of3A_93] : memref<32x1000000xf32, #tpu.memory_space<hbm>> -> memref<32x128xf32, #tpu.memory_space<hbm>>
    %dma_start3A_99 = arith.constant 0 : i32
    %dma_start3A_100 = arith.constant 640 : i32
    %dma_start3A_101 = tpu.memref_slice %arg6[%dma_start3A_99, %dma_start3A_100] : memref<32x1024xf32, #tpu.memory_space<vmem>> -> memref<32x128xf32, #tpu.memory_space<vmem>>
    %dma_start3A_102 = arith.constant 0 : i32
    %dma_start3A_103 = tpu.memref_slice %arg2[%dma_start3A_102, %multiple_of3A_93] : memref<32x1000000xf32, #tpu.memory_space<hbm>> -> memref<32x128xf32, #tpu.memory_space<hbm>>
    tpu.enqueue_dma source(%dma_start3A_103 : memref<32x128xf32, #tpu.memory_space<hbm>>) target(%dma_start3A_101 : memref<32x128xf32, #tpu.memory_space<vmem>>) target_semaphore(%arg10 : memref<!tpu.dma_semaphore, #tpu.memory_space<semaphore_mem>>)
    %slice3A_104 = vector.extract_strided_slice %get3A_5 {offsets = [6], sizes = [1], strides = [1]} : vector<16xi32> to vector<1xi32>
    %squeeze3A_105 = vector.extract %slice3A_104[0] : i32 from vector<1xi32>
    %shift_right_arithmetic3A_106 = arith.constant 7 : i32
    %shift_right_arithmetic3A_107 = arith.shrsi %squeeze3A_105, %shift_right_arithmetic3A_106 : i32
    %mul3A_108 = arith.constant 128 : i32
    %mul3A_109 = arith.muli %shift_right_arithmetic3A_107, %mul3A_108 : i32
    %multiple_of3A_110 = tpu.assume_multiple %mul3A_109, 128 : i32
    %dma_start3A_111 = arith.constant 0 : i32
    %dma_start3A_112 = arith.constant 768 : i32
    %dma_start3A_113 = tpu.memref_slice %arg6[%dma_start3A_111, %dma_start3A_112] : memref<32x1024xf32, #tpu.memory_space<vmem>> -> memref<32x128xf32, #tpu.memory_space<vmem>>
    %dma_start3A_114 = arith.constant 0 : i32
    %dma_start3A_115 = tpu.memref_slice %arg2[%dma_start3A_114, %multiple_of3A_110] : memref<32x1000000xf32, #tpu.memory_space<hbm>> -> memref<32x128xf32, #tpu.memory_space<hbm>>
    %dma_start3A_116 = arith.constant 0 : i32
    %dma_start3A_117 = arith.constant 768 : i32
    %dma_start3A_118 = tpu.memref_slice %arg6[%dma_start3A_116, %dma_start3A_117] : memref<32x1024xf32, #tpu.memory_space<vmem>> -> memref<32x128xf32, #tpu.memory_space<vmem>>
    %dma_start3A_119 = arith.constant 0 : i32
    %dma_start3A_120 = tpu.memref_slice %arg2[%dma_start3A_119, %multiple_of3A_110] : memref<32x1000000xf32, #tpu.memory_space<hbm>> -> memref<32x128xf32, #tpu.memory_space<hbm>>
    tpu.enqueue_dma source(%dma_start3A_120 : memref<32x128xf32, #tpu.memory_space<hbm>>) target(%dma_start3A_118 : memref<32x128xf32, #tpu.memory_space<vmem>>) target_semaphore(%arg10 : memref<!tpu.dma_semaphore, #tpu.memory_space<semaphore_mem>>)
    %slice3A_121 = vector.extract_strided_slice %get3A_5 {offsets = [7], sizes = [1], strides = [1]} : vector<16xi32> to vector<1xi32>
    %squeeze3A_122 = vector.extract %slice3A_121[0] : i32 from vector<1xi32>
    %shift_right_arithmetic3A_123 = arith.constant 7 : i32
    %shift_right_arithmetic3A_124 = arith.shrsi %squeeze3A_122, %shift_right_arithmetic3A_123 : i32
    %mul3A_125 = arith.constant 128 : i32
    %mul3A_126 = arith.muli %shift_right_arithmetic3A_124, %mul3A_125 : i32
    %multiple_of3A_127 = tpu.assume_multiple %mul3A_126, 128 : i32
    %dma_start3A_128 = arith.constant 0 : i32
    %dma_start3A_129 = arith.constant 896 : i32
    %dma_start3A_130 = tpu.memref_slice %arg6[%dma_start3A_128, %dma_start3A_129] : memref<32x1024xf32, #tpu.memory_space<vmem>> -> memref<32x128xf32, #tpu.memory_space<vmem>>
    %dma_start3A_131 = arith.constant 0 : i32
    %dma_start3A_132 = tpu.memref_slice %arg2[%dma_start3A_131, %multiple_of3A_127] : memref<32x1000000xf32, #tpu.memory_space<hbm>> -> memref<32x128xf32, #tpu.memory_space<hbm>>
    %dma_start3A_133 = arith.constant 0 : i32
    %dma_start3A_134 = arith.constant 896 : i32
    %dma_start3A_135 = tpu.memref_slice %arg6[%dma_start3A_133, %dma_start3A_134] : memref<32x1024xf32, #tpu.memory_space<vmem>> -> memref<32x128xf32, #tpu.memory_space<vmem>>
    %dma_start3A_136 = arith.constant 0 : i32
    %dma_start3A_137 = tpu.memref_slice %arg2[%dma_start3A_136, %multiple_of3A_127] : memref<32x1000000xf32, #tpu.memory_space<hbm>> -> memref<32x128xf32, #tpu.memory_space<hbm>>
    tpu.enqueue_dma source(%dma_start3A_137 : memref<32x128xf32, #tpu.memory_space<hbm>>) target(%dma_start3A_135 : memref<32x128xf32, #tpu.memory_space<vmem>>) target_semaphore(%arg10 : memref<!tpu.dma_semaphore, #tpu.memory_space<semaphore_mem>>)
    %scan3A = arith.constant 0 : i32
    %scan3A_138 = arith.constant 0 : i32
    %scan3A_139 = arith.constant 32 : i32
    %scan3A_140 = arith.addi %scan3A_138, %scan3A_139 : i32
    %scan3A_141 = arith.constant 1 : i32
    scf.for %scan3A_143 = %scan3A_138 to %scan3A_140 step %scan3A_141  : i32 {
      %mul3A_144 = arith.constant 2 : i32
      %mul3A_145 = arith.muli %scan3A_143, %mul3A_144 : i32
      %mul3A_146 = arith.constant 16 : i32
      %mul3A_147 = arith.muli %scan3A_143, %mul3A_146 : i32
      %get3A_148 = arith.index_cast %mul3A_147 : i32 to index
      %get3A_149 = tpu.vector_load %arg5[%get3A_148] {strides = array<i32>} : memref<512xi32, #tpu.memory_space<vmem>>, vector<16xi32>,
      %slice3A_150 = vector.extract_strided_slice %get3A_149 {offsets = [8], sizes = [1], strides = [1]} : vector<16xi32> to vector<1xi32>
      %squeeze3A_151 = vector.extract %slice3A_150[0] : i32 from vector<1xi32>
      %shift_right_arithmetic3A_152 = arith.constant 7 : i32
      %shift_right_arithmetic3A_153 = arith.shrsi %squeeze3A_151, %shift_right_arithmetic3A_152 : i32
      %mul3A_154 = arith.constant 128 : i32
      %mul3A_155 = arith.muli %shift_right_arithmetic3A_153, %mul3A_154 : i32
      %multiple_of3A_156 = tpu.assume_multiple %mul3A_155, 128 : i32
      %dma_start3A_157 = arith.constant 0 : i32
      %dma_start3A_158 = arith.constant 0 : i32
      %dma_start3A_159 = tpu.memref_slice %arg7[%dma_start3A_157, %dma_start3A_158] : memref<32x1024xf32, #tpu.memory_space<vmem>> -> memref<32x128xf32, #tpu.memory_space<vmem>>
      %dma_start3A_160 = arith.constant 0 : i32
      %dma_start3A_161 = tpu.memref_slice %arg2[%dma_start3A_160, %multiple_of3A_156] : memref<32x1000000xf32, #tpu.memory_space<hbm>> -> memref<32x128xf32, #tpu.memory_space<hbm>>
      %dma_start3A_162 = arith.constant 0 : i32
      %dma_start3A_163 = arith.constant 0 : i32
      %dma_start3A_164 = tpu.memref_slice %arg7[%dma_start3A_162, %dma_start3A_163] : memref<32x1024xf32, #tpu.memory_space<vmem>> -> memref<32x128xf32, #tpu.memory_space<vmem>>
      %dma_start3A_165 = arith.constant 0 : i32
      %dma_start3A_166 = tpu.memref_slice %arg2[%dma_start3A_165, %multiple_of3A_156] : memref<32x1000000xf32, #tpu.memory_space<hbm>> -> memref<32x128xf32, #tpu.memory_space<hbm>>
      tpu.enqueue_dma source(%dma_start3A_166 : memref<32x128xf32, #tpu.memory_space<hbm>>) target(%dma_start3A_164 : memref<32x128xf32, #tpu.memory_space<vmem>>) target_semaphore(%arg11 : memref<!tpu.dma_semaphore, #tpu.memory_space<semaphore_mem>>)
      %slice3A_167 = vector.extract_strided_slice %get3A_149 {offsets = [9], sizes = [1], strides = [1]} : vector<16xi32> to vector<1xi32>
      %squeeze3A_168 = vector.extract %slice3A_167[0] : i32 from vector<1xi32>
      %shift_right_arithmetic3A_169 = arith.constant 7 : i32
      %shift_right_arithmetic3A_170 = arith.shrsi %squeeze3A_168, %shift_right_arithmetic3A_169 : i32
      %mul3A_171 = arith.constant 128 : i32
      %mul3A_172 = arith.muli %shift_right_arithmetic3A_170, %mul3A_171 : i32
      %multiple_of3A_173 = tpu.assume_multiple %mul3A_172, 128 : i32
      %dma_start3A_174 = arith.constant 0 : i32
      %dma_start3A_175 = arith.constant 128 : i32
      %dma_start3A_176 = tpu.memref_slice %arg7[%dma_start3A_174, %dma_start3A_175] : memref<32x1024xf32, #tpu.memory_space<vmem>> -> memref<32x128xf32, #tpu.memory_space<vmem>>
      %dma_start3A_177 = arith.constant 0 : i32
      %dma_start3A_178 = tpu.memref_slice %arg2[%dma_start3A_177, %multiple_of3A_173] : memref<32x1000000xf32, #tpu.memory_space<hbm>> -> memref<32x128xf32, #tpu.memory_space<hbm>>
      %dma_start3A_179 = arith.constant 0 : i32
      %dma_start3A_180 = arith.constant 128 : i32
      %dma_start3A_181 = tpu.memref_slice %arg7[%dma_start3A_179, %dma_start3A_180] : memref<32x1024xf32, #tpu.memory_space<vmem>> -> memref<32x128xf32, #tpu.memory_space<vmem>>
      %dma_start3A_182 = arith.constant 0 : i32
      %dma_start3A_183 = tpu.memref_slice %arg2[%dma_start3A_182, %multiple_of3A_173] : memref<32x1000000xf32, #tpu.memory_space<hbm>> -> memref<32x128xf32, #tpu.memory_space<hbm>>
      tpu.enqueue_dma source(%dma_start3A_183 : memref<32x128xf32, #tpu.memory_space<hbm>>) target(%dma_start3A_181 : memref<32x128xf32, #tpu.memory_space<vmem>>) target_semaphore(%arg11 : memref<!tpu.dma_semaphore, #tpu.memory_space<semaphore_mem>>)
      %slice3A_184 = vector.extract_strided_slice %get3A_149 {offsets = [10], sizes = [1], strides = [1]} : vector<16xi32> to vector<1xi32>
      %squeeze3A_185 = vector.extract %slice3A_184[0] : i32 from vector<1xi32>
      %shift_right_arithmetic3A_186 = arith.constant 7 : i32
      %shift_right_arithmetic3A_187 = arith.shrsi %squeeze3A_185, %shift_right_arithmetic3A_186 : i32
      %mul3A_188 = arith.constant 128 : i32
      %mul3A_189 = arith.muli %shift_right_arithmetic3A_187, %mul3A_188 : i32
      %multiple_of3A_190 = tpu.assume_multiple %mul3A_189, 128 : i32
      %dma_start3A_191 = arith.constant 0 : i32
      %dma_start3A_192 = arith.constant 256 : i32
      %dma_start3A_193 = tpu.memref_slice %arg7[%dma_start3A_191, %dma_start3A_192] : memref<32x1024xf32, #tpu.memory_space<vmem>> -> memref<32x128xf32, #tpu.memory_space<vmem>>
      %dma_start3A_194 = arith.constant 0 : i32
      %dma_start3A_195 = tpu.memref_slice %arg2[%dma_start3A_194, %multiple_of3A_190] : memref<32x1000000xf32, #tpu.memory_space<hbm>> -> memref<32x128xf32, #tpu.memory_space<hbm>>
      %dma_start3A_196 = arith.constant 0 : i32
      %dma_start3A_197 = arith.constant 256 : i32
      %dma_start3A_198 = tpu.memref_slice %arg7[%dma_start3A_196, %dma_start3A_197] : memref<32x1024xf32, #tpu.memory_space<vmem>> -> memref<32x128xf32, #tpu.memory_space<vmem>>
      %dma_start3A_199 = arith.constant 0 : i32
      %dma_start3A_200 = tpu.memref_slice %arg2[%dma_start3A_199, %multiple_of3A_190] : memref<32x1000000xf32, #tpu.memory_space<hbm>> -> memref<32x128xf32, #tpu.memory_space<hbm>>
      tpu.enqueue_dma source(%dma_start3A_200 : memref<32x128xf32, #tpu.memory_space<hbm>>) target(%dma_start3A_198 : memref<32x128xf32, #tpu.memory_space<vmem>>) target_semaphore(%arg11 : memref<!tpu.dma_semaphore, #tpu.memory_space<semaphore_mem>>)
      %slice3A_201 = vector.extract_strided_slice %get3A_149 {offsets = [11], sizes = [1], strides = [1]} : vector<16xi32> to vector<1xi32>
      %squeeze3A_202 = vector.extract %slice3A_201[0] : i32 from vector<1xi32>
      %shift_right_arithmetic3A_203 = arith.constant 7 : i32
      %shift_right_arithmetic3A_204 = arith.shrsi %squeeze3A_202, %shift_right_arithmetic3A_203 : i32
      %mul3A_205 = arith.constant 128 : i32
      %mul3A_206 = arith.muli %shift_right_arithmetic3A_204, %mul3A_205 : i32
      %multiple_of3A_207 = tpu.assume_multiple %mul3A_206, 128 : i32
      %dma_start3A_208 = arith.constant 0 : i32
      %dma_start3A_209 = arith.constant 384 : i32
      %dma_start3A_210 = tpu.memref_slice %arg7[%dma_start3A_208, %dma_start3A_209] : memref<32x1024xf32, #tpu.memory_space<vmem>> -> memref<32x128xf32, #tpu.memory_space<vmem>>
      %dma_start3A_211 = arith.constant 0 : i32
      %dma_start3A_212 = tpu.memref_slice %arg2[%dma_start3A_211, %multiple_of3A_207] : memref<32x1000000xf32, #tpu.memory_space<hbm>> -> memref<32x128xf32, #tpu.memory_space<hbm>>
      %dma_start3A_213 = arith.constant 0 : i32
      %dma_start3A_214 = arith.constant 384 : i32
      %dma_start3A_215 = tpu.memref_slice %arg7[%dma_start3A_213, %dma_start3A_214] : memref<32x1024xf32, #tpu.memory_space<vmem>> -> memref<32x128xf32, #tpu.memory_space<vmem>>
      %dma_start3A_216 = arith.constant 0 : i32
      %dma_start3A_217 = tpu.memref_slice %arg2[%dma_start3A_216, %multiple_of3A_207] : memref<32x1000000xf32, #tpu.memory_space<hbm>> -> memref<32x128xf32, #tpu.memory_space<hbm>>
      tpu.enqueue_dma source(%dma_start3A_217 : memref<32x128xf32, #tpu.memory_space<hbm>>) target(%dma_start3A_215 : memref<32x128xf32, #tpu.memory_space<vmem>>) target_semaphore(%arg11 : memref<!tpu.dma_semaphore, #tpu.memory_space<semaphore_mem>>)
      %slice3A_218 = vector.extract_strided_slice %get3A_149 {offsets = [12], sizes = [1], strides = [1]} : vector<16xi32> to vector<1xi32>
      %squeeze3A_219 = vector.extract %slice3A_218[0] : i32 from vector<1xi32>
      %shift_right_arithmetic3A_220 = arith.constant 7 : i32
      %shift_right_arithmetic3A_221 = arith.shrsi %squeeze3A_219, %shift_right_arithmetic3A_220 : i32
      %mul3A_222 = arith.constant 128 : i32
      %mul3A_223 = arith.muli %shift_right_arithmetic3A_221, %mul3A_222 : i32
      %multiple_of3A_224 = tpu.assume_multiple %mul3A_223, 128 : i32
      %dma_start3A_225 = arith.constant 0 : i32
      %dma_start3A_226 = arith.constant 512 : i32
      %dma_start3A_227 = tpu.memref_slice %arg7[%dma_start3A_225, %dma_start3A_226] : memref<32x1024xf32, #tpu.memory_space<vmem>> -> memref<32x128xf32, #tpu.memory_space<vmem>>
      %dma_start3A_228 = arith.constant 0 : i32
      %dma_start3A_229 = tpu.memref_slice %arg2[%dma_start3A_228, %multiple_of3A_224] : memref<32x1000000xf32, #tpu.memory_space<hbm>> -> memref<32x128xf32, #tpu.memory_space<hbm>>
      %dma_start3A_230 = arith.constant 0 : i32
      %dma_start3A_231 = arith.constant 512 : i32
      %dma_start3A_232 = tpu.memref_slice %arg7[%dma_start3A_230, %dma_start3A_231] : memref<32x1024xf32, #tpu.memory_space<vmem>> -> memref<32x128xf32, #tpu.memory_space<vmem>>
      %dma_start3A_233 = arith.constant 0 : i32
      %dma_start3A_234 = tpu.memref_slice %arg2[%dma_start3A_233, %multiple_of3A_224] : memref<32x1000000xf32, #tpu.memory_space<hbm>> -> memref<32x128xf32, #tpu.memory_space<hbm>>
      tpu.enqueue_dma source(%dma_start3A_234 : memref<32x128xf32, #tpu.memory_space<hbm>>) target(%dma_start3A_232 : memref<32x128xf32, #tpu.memory_space<vmem>>) target_semaphore(%arg11 : memref<!tpu.dma_semaphore, #tpu.memory_space<semaphore_mem>>)
      %slice3A_235 = vector.extract_strided_slice %get3A_149 {offsets = [13], sizes = [1], strides = [1]} : vector<16xi32> to vector<1xi32>
      %squeeze3A_236 = vector.extract %slice3A_235[0] : i32 from vector<1xi32>
      %shift_right_arithmetic3A_237 = arith.constant 7 : i32
      %shift_right_arithmetic3A_238 = arith.shrsi %squeeze3A_236, %shift_right_arithmetic3A_237 : i32
      %mul3A_239 = arith.constant 128 : i32
      %mul3A_240 = arith.muli %shift_right_arithmetic3A_238, %mul3A_239 : i32
      %multiple_of3A_241 = tpu.assume_multiple %mul3A_240, 128 : i32
      %dma_start3A_242 = arith.constant 0 : i32
      %dma_start3A_243 = arith.constant 640 : i32
      %dma_start3A_244 = tpu.memref_slice %arg7[%dma_start3A_242, %dma_start3A_243] : memref<32x1024xf32, #tpu.memory_space<vmem>> -> memref<32x128xf32, #tpu.memory_space<vmem>>
      %dma_start3A_245 = arith.constant 0 : i32
      %dma_start3A_246 = tpu.memref_slice %arg2[%dma_start3A_245, %multiple_of3A_241] : memref<32x1000000xf32, #tpu.memory_space<hbm>> -> memref<32x128xf32, #tpu.memory_space<hbm>>
      %dma_start3A_247 = arith.constant 0 : i32
      %dma_start3A_248 = arith.constant 640 : i32
      %dma_start3A_249 = tpu.memref_slice %arg7[%dma_start3A_247, %dma_start3A_248] : memref<32x1024xf32, #tpu.memory_space<vmem>> -> memref<32x128xf32, #tpu.memory_space<vmem>>
      %dma_start3A_250 = arith.constant 0 : i32
      %dma_start3A_251 = tpu.memref_slice %arg2[%dma_start3A_250, %multiple_of3A_241] : memref<32x1000000xf32, #tpu.memory_space<hbm>> -> memref<32x128xf32, #tpu.memory_space<hbm>>
      tpu.enqueue_dma source(%dma_start3A_251 : memref<32x128xf32, #tpu.memory_space<hbm>>) target(%dma_start3A_249 : memref<32x128xf32, #tpu.memory_space<vmem>>) target_semaphore(%arg11 : memref<!tpu.dma_semaphore, #tpu.memory_space<semaphore_mem>>)
      %slice3A_252 = vector.extract_strided_slice %get3A_149 {offsets = [14], sizes = [1], strides = [1]} : vector<16xi32> to vector<1xi32>
      %squeeze3A_253 = vector.extract %slice3A_252[0] : i32 from vector<1xi32>
      %shift_right_arithmetic3A_254 = arith.constant 7 : i32
      %shift_right_arithmetic3A_255 = arith.shrsi %squeeze3A_253, %shift_right_arithmetic3A_254 : i32
      %mul3A_256 = arith.constant 128 : i32
      %mul3A_257 = arith.muli %shift_right_arithmetic3A_255, %mul3A_256 : i32
      %multiple_of3A_258 = tpu.assume_multiple %mul3A_257, 128 : i32
      %dma_start3A_259 = arith.constant 0 : i32
      %dma_start3A_260 = arith.constant 768 : i32
      %dma_start3A_261 = tpu.memref_slice %arg7[%dma_start3A_259, %dma_start3A_260] : memref<32x1024xf32, #tpu.memory_space<vmem>> -> memref<32x128xf32, #tpu.memory_space<vmem>>
      %dma_start3A_262 = arith.constant 0 : i32
      %dma_start3A_263 = tpu.memref_slice %arg2[%dma_start3A_262, %multiple_of3A_258] : memref<32x1000000xf32, #tpu.memory_space<hbm>> -> memref<32x128xf32, #tpu.memory_space<hbm>>
      %dma_start3A_264 = arith.constant 0 : i32
      %dma_start3A_265 = arith.constant 768 : i32
      %dma_start3A_266 = tpu.memref_slice %arg7[%dma_start3A_264, %dma_start3A_265] : memref<32x1024xf32, #tpu.memory_space<vmem>> -> memref<32x128xf32, #tpu.memory_space<vmem>>
      %dma_start3A_267 = arith.constant 0 : i32
      %dma_start3A_268 = tpu.memref_slice %arg2[%dma_start3A_267, %multiple_of3A_258] : memref<32x1000000xf32, #tpu.memory_space<hbm>> -> memref<32x128xf32, #tpu.memory_space<hbm>>
      tpu.enqueue_dma source(%dma_start3A_268 : memref<32x128xf32, #tpu.memory_space<hbm>>) target(%dma_start3A_266 : memref<32x128xf32, #tpu.memory_space<vmem>>) target_semaphore(%arg11 : memref<!tpu.dma_semaphore, #tpu.memory_space<semaphore_mem>>)
      %slice3A_269 = vector.extract_strided_slice %get3A_149 {offsets = [15], sizes = [1], strides = [1]} : vector<16xi32> to vector<1xi32>
      %squeeze3A_270 = vector.extract %slice3A_269[0] : i32 from vector<1xi32>
      %shift_right_arithmetic3A_271 = arith.constant 7 : i32
      %shift_right_arithmetic3A_272 = arith.shrsi %squeeze3A_270, %shift_right_arithmetic3A_271 : i32
      %mul3A_273 = arith.constant 128 : i32
      %mul3A_274 = arith.muli %shift_right_arithmetic3A_272, %mul3A_273 : i32
      %multiple_of3A_275 = tpu.assume_multiple %mul3A_274, 128 : i32
      %dma_start3A_276 = arith.constant 0 : i32
      %dma_start3A_277 = arith.constant 896 : i32
      %dma_start3A_278 = tpu.memref_slice %arg7[%dma_start3A_276, %dma_start3A_277] : memref<32x1024xf32, #tpu.memory_space<vmem>> -> memref<32x128xf32, #tpu.memory_space<vmem>>
      %dma_start3A_279 = arith.constant 0 : i32
      %dma_start3A_280 = tpu.memref_slice %arg2[%dma_start3A_279, %multiple_of3A_275] : memref<32x1000000xf32, #tpu.memory_space<hbm>> -> memref<32x128xf32, #tpu.memory_space<hbm>>
      %dma_start3A_281 = arith.constant 0 : i32
      %dma_start3A_282 = arith.constant 896 : i32
      %dma_start3A_283 = tpu.memref_slice %arg7[%dma_start3A_281, %dma_start3A_282] : memref<32x1024xf32, #tpu.memory_space<vmem>> -> memref<32x128xf32, #tpu.memory_space<vmem>>
      %dma_start3A_284 = arith.constant 0 : i32
      %dma_start3A_285 = tpu.memref_slice %arg2[%dma_start3A_284, %multiple_of3A_275] : memref<32x1000000xf32, #tpu.memory_space<hbm>> -> memref<32x128xf32, #tpu.memory_space<hbm>>
      tpu.enqueue_dma source(%dma_start3A_285 : memref<32x128xf32, #tpu.memory_space<hbm>>) target(%dma_start3A_283 : memref<32x128xf32, #tpu.memory_space<vmem>>) target_semaphore(%arg11 : memref<!tpu.dma_semaphore, #tpu.memory_space<semaphore_mem>>)
      %dma_wait3A_286 = arith.constant 0 : i32
      %dma_wait3A_287 = arith.constant 0 : i32
      %dma_wait3A_288 = tpu.memref_slice %arg2[%dma_wait3A_286, %dma_wait3A_287] : memref<32x1000000xf32, #tpu.memory_space<hbm>> -> memref<32x1024xf32, #tpu.memory_space<hbm>>
      %dma_wait3A_289 = arith.constant 0 : i32
      %dma_wait3A_290 = arith.constant 0 : i32
      %dma_wait3A_291 = tpu.memref_slice %arg2[%dma_wait3A_289, %dma_wait3A_290] : memref<32x1000000xf32, #tpu.memory_space<hbm>> -> memref<32x1024xf32, #tpu.memory_space<hbm>>
      tpu.wait_dma2 semaphore(%arg10 : memref<!tpu.dma_semaphore, #tpu.memory_space<semaphore_mem>>) src(%dma_wait3A_291 : memref<32x1024xf32, #tpu.memory_space<hbm>>) dst(%arg6 : memref<32x1024xf32, #tpu.memory_space<vmem>>)
      %and3A = arith.constant 127 : i32
      %and3A_292 = vector.broadcast %and3A : i32 to vector<16xi32>
      %and3A_293 = arith.andi %get3A_149, %and3A_292 : vector<16xi32>
      %slice3A_294 = vector.extract_strided_slice %and3A_293 {offsets = [0], sizes = [1], strides = [1]} : vector<16xi32> to vector<1xi32>
      %squeeze3A_295 = vector.extract %slice3A_294[0] : i32 from vector<1xi32>
      %add3A_296 = arith.constant 0 : i32
      %add3A_297 = arith.addi %add3A_296, %squeeze3A_295 : i32
      %broadcast_in_dim3A = vector.broadcast %add3A_297 : i32 to vector<16xi32>
      %mul3A_298 = arith.constant 8 : i32
      %mul3A_299 = arith.muli %mul3A_145, %mul3A_298 : i32
      %add3A_300 = arith.constant 0 : i32
      %add3A_301 = arith.addi %mul3A_299, %add3A_300 : i32
      %broadcast_in_dim3A_302 = vector.broadcast %add3A_301 : i32 to vector<16xi32>
      %gather3A = tpu.vector_load_idx %arg6[%iota3A, %broadcast_in_dim3A] : memref<32x1024xf32, #tpu.memory_space<vmem>>[vector<16xi32>, vector<16xi32>], vector<16xf32>,
      %add3A_303 = arith.constant 16 : i32
      %add3A_304 = vector.broadcast %add3A_303 : i32 to vector<16xi32>
      %add3A_305 = arith.addi %iota3A, %add3A_304 : vector<16xi32>
      %gather3A_306 = tpu.vector_load_idx %arg6[%add3A_305, %broadcast_in_dim3A] : memref<32x1024xf32, #tpu.memory_space<vmem>>[vector<16xi32>, vector<16xi32>], vector<16xf32>,
      tpu.vector_store_idx %arg8[%iota3A, %broadcast_in_dim3A_302], %gather3A : memref<32x512xf32, #tpu.memory_space<vmem>>[vector<16xi32>, vector<16xi32>], vector<16xf32>,
      %add3A_307 = arith.constant 16 : i32
      %add3A_308 = vector.broadcast %add3A_307 : i32 to vector<16xi32>
      %add3A_309 = arith.addi %iota3A, %add3A_308 : vector<16xi32>
      tpu.vector_store_idx %arg8[%add3A_309, %broadcast_in_dim3A_302], %gather3A_306 : memref<32x512xf32, #tpu.memory_space<vmem>>[vector<16xi32>, vector<16xi32>], vector<16xf32>,
      %slice3A_310 = vector.extract_strided_slice %and3A_293 {offsets = [1], sizes = [1], strides = [1]} : vector<16xi32> to vector<1xi32>
      %squeeze3A_311 = vector.extract %slice3A_310[0] : i32 from vector<1xi32>
      %add3A_312 = arith.constant 128 : i32
      %add3A_313 = arith.addi %add3A_312, %squeeze3A_311 : i32
      %broadcast_in_dim3A_314 = vector.broadcast %add3A_313 : i32 to vector<16xi32>
      %mul3A_315 = arith.constant 8 : i32
      %mul3A_316 = arith.muli %mul3A_145, %mul3A_315 : i32
      %add3A_317 = arith.constant 1 : i32
      %add3A_318 = arith.addi %mul3A_316, %add3A_317 : i32
      %broadcast_in_dim3A_319 = vector.broadcast %add3A_318 : i32 to vector<16xi32>
      %gather3A_320 = tpu.vector_load_idx %arg6[%iota3A, %broadcast_in_dim3A_314] : memref<32x1024xf32, #tpu.memory_space<vmem>>[vector<16xi32>, vector<16xi32>], vector<16xf32>,
      %add3A_321 = arith.constant 16 : i32
      %add3A_322 = vector.broadcast %add3A_321 : i32 to vector<16xi32>
      %add3A_323 = arith.addi %iota3A, %add3A_322 : vector<16xi32>
      %gather3A_324 = tpu.vector_load_idx %arg6[%add3A_323, %broadcast_in_dim3A_314] : memref<32x1024xf32, #tpu.memory_space<vmem>>[vector<16xi32>, vector<16xi32>], vector<16xf32>,
      tpu.vector_store_idx %arg8[%iota3A, %broadcast_in_dim3A_319], %gather3A_320 : memref<32x512xf32, #tpu.memory_space<vmem>>[vector<16xi32>, vector<16xi32>], vector<16xf32>,
      %add3A_325 = arith.constant 16 : i32
      %add3A_326 = vector.broadcast %add3A_325 : i32 to vector<16xi32>
      %add3A_327 = arith.addi %iota3A, %add3A_326 : vector<16xi32>
      tpu.vector_store_idx %arg8[%add3A_327, %broadcast_in_dim3A_319], %gather3A_324 : memref<32x512xf32, #tpu.memory_space<vmem>>[vector<16xi32>, vector<16xi32>], vector<16xf32>,
      %slice3A_328 = vector.extract_strided_slice %and3A_293 {offsets = [2], sizes = [1], strides = [1]} : vector<16xi32> to vector<1xi32>
      %squeeze3A_329 = vector.extract %slice3A_328[0] : i32 from vector<1xi32>
      %add3A_330 = arith.constant 256 : i32
      %add3A_331 = arith.addi %add3A_330, %squeeze3A_329 : i32
      %broadcast_in_dim3A_332 = vector.broadcast %add3A_331 : i32 to vector<16xi32>
      %mul3A_333 = arith.constant 8 : i32
      %mul3A_334 = arith.muli %mul3A_145, %mul3A_333 : i32
      %add3A_335 = arith.constant 2 : i32
      %add3A_336 = arith.addi %mul3A_334, %add3A_335 : i32
      %broadcast_in_dim3A_337 = vector.broadcast %add3A_336 : i32 to vector<16xi32>
      %gather3A_338 = tpu.vector_load_idx %arg6[%iota3A, %broadcast_in_dim3A_332] : memref<32x1024xf32, #tpu.memory_space<vmem>>[vector<16xi32>, vector<16xi32>], vector<16xf32>,
      %add3A_339 = arith.constant 16 : i32
      %add3A_340 = vector.broadcast %add3A_339 : i32 to vector<16xi32>
      %add3A_341 = arith.addi %iota3A, %add3A_340 : vector<16xi32>
      %gather3A_342 = tpu.vector_load_idx %arg6[%add3A_341, %broadcast_in_dim3A_332] : memref<32x1024xf32, #tpu.memory_space<vmem>>[vector<16xi32>, vector<16xi32>], vector<16xf32>,
      tpu.vector_store_idx %arg8[%iota3A, %broadcast_in_dim3A_337], %gather3A_338 : memref<32x512xf32, #tpu.memory_space<vmem>>[vector<16xi32>, vector<16xi32>], vector<16xf32>,
      %add3A_343 = arith.constant 16 : i32
      %add3A_344 = vector.broadcast %add3A_343 : i32 to vector<16xi32>
      %add3A_345 = arith.addi %iota3A, %add3A_344 : vector<16xi32>
      tpu.vector_store_idx %arg8[%add3A_345, %broadcast_in_dim3A_337], %gather3A_342 : memref<32x512xf32, #tpu.memory_space<vmem>>[vector<16xi32>, vector<16xi32>], vector<16xf32>,
      %slice3A_346 = vector.extract_strided_slice %and3A_293 {offsets = [3], sizes = [1], strides = [1]} : vector<16xi32> to vector<1xi32>
      %squeeze3A_347 = vector.extract %slice3A_346[0] : i32 from vector<1xi32>
      %add3A_348 = arith.constant 384 : i32
      %add3A_349 = arith.addi %add3A_348, %squeeze3A_347 : i32
      %broadcast_in_dim3A_350 = vector.broadcast %add3A_349 : i32 to vector<16xi32>
      %mul3A_351 = arith.constant 8 : i32
      %mul3A_352 = arith.muli %mul3A_145, %mul3A_351 : i32
      %add3A_353 = arith.constant 3 : i32
      %add3A_354 = arith.addi %mul3A_352, %add3A_353 : i32
      %broadcast_in_dim3A_355 = vector.broadcast %add3A_354 : i32 to vector<16xi32>
      %gather3A_356 = tpu.vector_load_idx %arg6[%iota3A, %broadcast_in_dim3A_350] : memref<32x1024xf32, #tpu.memory_space<vmem>>[vector<16xi32>, vector<16xi32>], vector<16xf32>,
      %add3A_357 = arith.constant 16 : i32
      %add3A_358 = vector.broadcast %add3A_357 : i32 to vector<16xi32>
      %add3A_359 = arith.addi %iota3A, %add3A_358 : vector<16xi32>
      %gather3A_360 = tpu.vector_load_idx %arg6[%add3A_359, %broadcast_in_dim3A_350] : memref<32x1024xf32, #tpu.memory_space<vmem>>[vector<16xi32>, vector<16xi32>], vector<16xf32>,
      tpu.vector_store_idx %arg8[%iota3A, %broadcast_in_dim3A_355], %gather3A_356 : memref<32x512xf32, #tpu.memory_space<vmem>>[vector<16xi32>, vector<16xi32>], vector<16xf32>,
      %add3A_361 = arith.constant 16 : i32
      %add3A_362 = vector.broadcast %add3A_361 : i32 to vector<16xi32>
      %add3A_363 = arith.addi %iota3A, %add3A_362 : vector<16xi32>
      tpu.vector_store_idx %arg8[%add3A_363, %broadcast_in_dim3A_355], %gather3A_360 : memref<32x512xf32, #tpu.memory_space<vmem>>[vector<16xi32>, vector<16xi32>], vector<16xf32>,
      %slice3A_364 = vector.extract_strided_slice %and3A_293 {offsets = [4], sizes = [1], strides = [1]} : vector<16xi32> to vector<1xi32>
      %squeeze3A_365 = vector.extract %slice3A_364[0] : i32 from vector<1xi32>
      %add3A_366 = arith.constant 512 : i32
      %add3A_367 = arith.addi %add3A_366, %squeeze3A_365 : i32
      %broadcast_in_dim3A_368 = vector.broadcast %add3A_367 : i32 to vector<16xi32>
      %mul3A_369 = arith.constant 8 : i32
      %mul3A_370 = arith.muli %mul3A_145, %mul3A_369 : i32
      %add3A_371 = arith.constant 4 : i32
      %add3A_372 = arith.addi %mul3A_370, %add3A_371 : i32
      %broadcast_in_dim3A_373 = vector.broadcast %add3A_372 : i32 to vector<16xi32>
      %gather3A_374 = tpu.vector_load_idx %arg6[%iota3A, %broadcast_in_dim3A_368] : memref<32x1024xf32, #tpu.memory_space<vmem>>[vector<16xi32>, vector<16xi32>], vector<16xf32>,
      %add3A_375 = arith.constant 16 : i32
      %add3A_376 = vector.broadcast %add3A_375 : i32 to vector<16xi32>
      %add3A_377 = arith.addi %iota3A, %add3A_376 : vector<16xi32>
      %gather3A_378 = tpu.vector_load_idx %arg6[%add3A_377, %broadcast_in_dim3A_368] : memref<32x1024xf32, #tpu.memory_space<vmem>>[vector<16xi32>, vector<16xi32>], vector<16xf32>,
      tpu.vector_store_idx %arg8[%iota3A, %broadcast_in_dim3A_373], %gather3A_374 : memref<32x512xf32, #tpu.memory_space<vmem>>[vector<16xi32>, vector<16xi32>], vector<16xf32>,
      %add3A_379 = arith.constant 16 : i32
      %add3A_380 = vector.broadcast %add3A_379 : i32 to vector<16xi32>
      %add3A_381 = arith.addi %iota3A, %add3A_380 : vector<16xi32>
      tpu.vector_store_idx %arg8[%add3A_381, %broadcast_in_dim3A_373], %gather3A_378 : memref<32x512xf32, #tpu.memory_space<vmem>>[vector<16xi32>, vector<16xi32>], vector<16xf32>,
      %slice3A_382 = vector.extract_strided_slice %and3A_293 {offsets = [5], sizes = [1], strides = [1]} : vector<16xi32> to vector<1xi32>
      %squeeze3A_383 = vector.extract %slice3A_382[0] : i32 from vector<1xi32>
      %add3A_384 = arith.constant 640 : i32
      %add3A_385 = arith.addi %add3A_384, %squeeze3A_383 : i32
      %broadcast_in_dim3A_386 = vector.broadcast %add3A_385 : i32 to vector<16xi32>
      %mul3A_387 = arith.constant 8 : i32
      %mul3A_388 = arith.muli %mul3A_145, %mul3A_387 : i32
      %add3A_389 = arith.constant 5 : i32
      %add3A_390 = arith.addi %mul3A_388, %add3A_389 : i32
      %broadcast_in_dim3A_391 = vector.broadcast %add3A_390 : i32 to vector<16xi32>
      %gather3A_392 = tpu.vector_load_idx %arg6[%iota3A, %broadcast_in_dim3A_386] : memref<32x1024xf32, #tpu.memory_space<vmem>>[vector<16xi32>, vector<16xi32>], vector<16xf32>,
      %add3A_393 = arith.constant 16 : i32
      %add3A_394 = vector.broadcast %add3A_393 : i32 to vector<16xi32>
      %add3A_395 = arith.addi %iota3A, %add3A_394 : vector<16xi32>
      %gather3A_396 = tpu.vector_load_idx %arg6[%add3A_395, %broadcast_in_dim3A_386] : memref<32x1024xf32, #tpu.memory_space<vmem>>[vector<16xi32>, vector<16xi32>], vector<16xf32>,
      tpu.vector_store_idx %arg8[%iota3A, %broadcast_in_dim3A_391], %gather3A_392 : memref<32x512xf32, #tpu.memory_space<vmem>>[vector<16xi32>, vector<16xi32>], vector<16xf32>,
      %add3A_397 = arith.constant 16 : i32
      %add3A_398 = vector.broadcast %add3A_397 : i32 to vector<16xi32>
      %add3A_399 = arith.addi %iota3A, %add3A_398 : vector<16xi32>
      tpu.vector_store_idx %arg8[%add3A_399, %broadcast_in_dim3A_391], %gather3A_396 : memref<32x512xf32, #tpu.memory_space<vmem>>[vector<16xi32>, vector<16xi32>], vector<16xf32>,
      %slice3A_400 = vector.extract_strided_slice %and3A_293 {offsets = [6], sizes = [1], strides = [1]} : vector<16xi32> to vector<1xi32>
      %squeeze3A_401 = vector.extract %slice3A_400[0] : i32 from vector<1xi32>
      %add3A_402 = arith.constant 768 : i32
      %add3A_403 = arith.addi %add3A_402, %squeeze3A_401 : i32
      %broadcast_in_dim3A_404 = vector.broadcast %add3A_403 : i32 to vector<16xi32>
      %mul3A_405 = arith.constant 8 : i32
      %mul3A_406 = arith.muli %mul3A_145, %mul3A_405 : i32
      %add3A_407 = arith.constant 6 : i32
      %add3A_408 = arith.addi %mul3A_406, %add3A_407 : i32
      %broadcast_in_dim3A_409 = vector.broadcast %add3A_408 : i32 to vector<16xi32>
      %gather3A_410 = tpu.vector_load_idx %arg6[%iota3A, %broadcast_in_dim3A_404] : memref<32x1024xf32, #tpu.memory_space<vmem>>[vector<16xi32>, vector<16xi32>], vector<16xf32>,
      %add3A_411 = arith.constant 16 : i32
      %add3A_412 = vector.broadcast %add3A_411 : i32 to vector<16xi32>
      %add3A_413 = arith.addi %iota3A, %add3A_412 : vector<16xi32>
      %gather3A_414 = tpu.vector_load_idx %arg6[%add3A_413, %broadcast_in_dim3A_404] : memref<32x1024xf32, #tpu.memory_space<vmem>>[vector<16xi32>, vector<16xi32>], vector<16xf32>,
      tpu.vector_store_idx %arg8[%iota3A, %broadcast_in_dim3A_409], %gather3A_410 : memref<32x512xf32, #tpu.memory_space<vmem>>[vector<16xi32>, vector<16xi32>], vector<16xf32>,
      %add3A_415 = arith.constant 16 : i32
      %add3A_416 = vector.broadcast %add3A_415 : i32 to vector<16xi32>
      %add3A_417 = arith.addi %iota3A, %add3A_416 : vector<16xi32>
      tpu.vector_store_idx %arg8[%add3A_417, %broadcast_in_dim3A_409], %gather3A_414 : memref<32x512xf32, #tpu.memory_space<vmem>>[vector<16xi32>, vector<16xi32>], vector<16xf32>,
      %slice3A_418 = vector.extract_strided_slice %and3A_293 {offsets = [7], sizes = [1], strides = [1]} : vector<16xi32> to vector<1xi32>
      %squeeze3A_419 = vector.extract %slice3A_418[0] : i32 from vector<1xi32>
      %add3A_420 = arith.constant 896 : i32
      %add3A_421 = arith.addi %add3A_420, %squeeze3A_419 : i32
      %broadcast_in_dim3A_422 = vector.broadcast %add3A_421 : i32 to vector<16xi32>
      %mul3A_423 = arith.constant 8 : i32
      %mul3A_424 = arith.muli %mul3A_145, %mul3A_423 : i32
      %add3A_425 = arith.constant 7 : i32
      %add3A_426 = arith.addi %mul3A_424, %add3A_425 : i32
      %broadcast_in_dim3A_427 = vector.broadcast %add3A_426 : i32 to vector<16xi32>
      %gather3A_428 = tpu.vector_load_idx %arg6[%iota3A, %broadcast_in_dim3A_422] : memref<32x1024xf32, #tpu.memory_space<vmem>>[vector<16xi32>, vector<16xi32>], vector<16xf32>,
      %add3A_429 = arith.constant 16 : i32
      %add3A_430 = vector.broadcast %add3A_429 : i32 to vector<16xi32>
      %add3A_431 = arith.addi %iota3A, %add3A_430 : vector<16xi32>
      %gather3A_432 = tpu.vector_load_idx %arg6[%add3A_431, %broadcast_in_dim3A_422] : memref<32x1024xf32, #tpu.memory_space<vmem>>[vector<16xi32>, vector<16xi32>], vector<16xf32>,
      tpu.vector_store_idx %arg8[%iota3A, %broadcast_in_dim3A_427], %gather3A_428 : memref<32x512xf32, #tpu.memory_space<vmem>>[vector<16xi32>, vector<16xi32>], vector<16xf32>,
      %add3A_433 = arith.constant 16 : i32
      %add3A_434 = vector.broadcast %add3A_433 : i32 to vector<16xi32>
      %add3A_435 = arith.addi %iota3A, %add3A_434 : vector<16xi32>
      tpu.vector_store_idx %arg8[%add3A_435, %broadcast_in_dim3A_427], %gather3A_432 : memref<32x512xf32, #tpu.memory_space<vmem>>[vector<16xi32>, vector<16xi32>], vector<16xf32>,
      %lt3A = arith.constant 31 : i32
      %lt3A_436 = arith.cmpi slt, %scan3A_143, %lt3A : i32
      %convert_element_type3A = arith.extui %lt3A_436 : i1 to i32
      %cond3A = arith.constant 0 : i32
      %cond3A_437 = arith.cmpi ne, %convert_element_type3A, %cond3A : i32
      scf.if %cond3A_437 {
        %mul3A_593 = arith.constant 16 : i32
        %mul3A_594 = arith.muli %scan3A_143, %mul3A_593 : i32
        %add3A_595 = arith.constant 16 : i32
        %add3A_596 = arith.addi %mul3A_594, %add3A_595 : i32
        %get3A_597 = arith.index_cast %add3A_596 : i32 to index
        %get3A_598 = tpu.vector_load %arg5[%get3A_597] {strides = array<i32>} : memref<512xi32, #tpu.memory_space<vmem>>, vector<16xi32>,
        %slice3A_599 = vector.extract_strided_slice %get3A_598 {offsets = [0], sizes = [1], strides = [1]} : vector<16xi32> to vector<1xi32>
        %squeeze3A_600 = vector.extract %slice3A_599[0] : i32 from vector<1xi32>
        %shift_right_arithmetic3A_601 = arith.constant 7 : i32
        %shift_right_arithmetic3A_602 = arith.shrsi %squeeze3A_600, %shift_right_arithmetic3A_601 : i32
        %mul3A_603 = arith.constant 128 : i32
        %mul3A_604 = arith.muli %shift_right_arithmetic3A_602, %mul3A_603 : i32
        %multiple_of3A_605 = tpu.assume_multiple %mul3A_604, 128 : i32
        %dma_start3A_606 = arith.constant 0 : i32
        %dma_start3A_607 = arith.constant 0 : i32
        %dma_start3A_608 = tpu.memref_slice %arg6[%dma_start3A_606, %dma_start3A_607] : memref<32x1024xf32, #tpu.memory_space<vmem>> -> memref<32x128xf32, #tpu.memory_space<vmem>>
        %dma_start3A_609 = arith.constant 0 : i32
        %dma_start3A_610 = tpu.memref_slice %arg2[%dma_start3A_609, %multiple_of3A_605] : memref<32x1000000xf32, #tpu.memory_space<hbm>> -> memref<32x128xf32, #tpu.memory_space<hbm>>
        %dma_start3A_611 = arith.constant 0 : i32
        %dma_start3A_612 = arith.constant 0 : i32
        %dma_start3A_613 = tpu.memref_slice %arg6[%dma_start3A_611, %dma_start3A_612] : memref<32x1024xf32, #tpu.memory_space<vmem>> -> memref<32x128xf32, #tpu.memory_space<vmem>>
        %dma_start3A_614 = arith.constant 0 : i32
        %dma_start3A_615 = tpu.memref_slice %arg2[%dma_start3A_614, %multiple_of3A_605] : memref<32x1000000xf32, #tpu.memory_space<hbm>> -> memref<32x128xf32, #tpu.memory_space<hbm>>
        tpu.enqueue_dma source(%dma_start3A_615 : memref<32x128xf32, #tpu.memory_space<hbm>>) target(%dma_start3A_613 : memref<32x128xf32, #tpu.memory_space<vmem>>) target_semaphore(%arg10 : memref<!tpu.dma_semaphore, #tpu.memory_space<semaphore_mem>>)
        %slice3A_616 = vector.extract_strided_slice %get3A_598 {offsets = [1], sizes = [1], strides = [1]} : vector<16xi32> to vector<1xi32>
        %squeeze3A_617 = vector.extract %slice3A_616[0] : i32 from vector<1xi32>
        %shift_right_arithmetic3A_618 = arith.constant 7 : i32
        %shift_right_arithmetic3A_619 = arith.shrsi %squeeze3A_617, %shift_right_arithmetic3A_618 : i32
        %mul3A_620 = arith.constant 128 : i32
        %mul3A_621 = arith.muli %shift_right_arithmetic3A_619, %mul3A_620 : i32
        %multiple_of3A_622 = tpu.assume_multiple %mul3A_621, 128 : i32
        %dma_start3A_623 = arith.constant 0 : i32
        %dma_start3A_624 = arith.constant 128 : i32
        %dma_start3A_625 = tpu.memref_slice %arg6[%dma_start3A_623, %dma_start3A_624] : memref<32x1024xf32, #tpu.memory_space<vmem>> -> memref<32x128xf32, #tpu.memory_space<vmem>>
        %dma_start3A_626 = arith.constant 0 : i32
        %dma_start3A_627 = tpu.memref_slice %arg2[%dma_start3A_626, %multiple_of3A_622] : memref<32x1000000xf32, #tpu.memory_space<hbm>> -> memref<32x128xf32, #tpu.memory_space<hbm>>
        %dma_start3A_628 = arith.constant 0 : i32
        %dma_start3A_629 = arith.constant 128 : i32
        %dma_start3A_630 = tpu.memref_slice %arg6[%dma_start3A_628, %dma_start3A_629] : memref<32x1024xf32, #tpu.memory_space<vmem>> -> memref<32x128xf32, #tpu.memory_space<vmem>>
        %dma_start3A_631 = arith.constant 0 : i32
        %dma_start3A_632 = tpu.memref_slice %arg2[%dma_start3A_631, %multiple_of3A_622] : memref<32x1000000xf32, #tpu.memory_space<hbm>> -> memref<32x128xf32, #tpu.memory_space<hbm>>
        tpu.enqueue_dma source(%dma_start3A_632 : memref<32x128xf32, #tpu.memory_space<hbm>>) target(%dma_start3A_630 : memref<32x128xf32, #tpu.memory_space<vmem>>) target_semaphore(%arg10 : memref<!tpu.dma_semaphore, #tpu.memory_space<semaphore_mem>>)
        %slice3A_633 = vector.extract_strided_slice %get3A_598 {offsets = [2], sizes = [1], strides = [1]} : vector<16xi32> to vector<1xi32>
        %squeeze3A_634 = vector.extract %slice3A_633[0] : i32 from vector<1xi32>
        %shift_right_arithmetic3A_635 = arith.constant 7 : i32
        %shift_right_arithmetic3A_636 = arith.shrsi %squeeze3A_634, %shift_right_arithmetic3A_635 : i32
        %mul3A_637 = arith.constant 128 : i32
        %mul3A_638 = arith.muli %shift_right_arithmetic3A_636, %mul3A_637 : i32
        %multiple_of3A_639 = tpu.assume_multiple %mul3A_638, 128 : i32
        %dma_start3A_640 = arith.constant 0 : i32
        %dma_start3A_641 = arith.constant 256 : i32
        %dma_start3A_642 = tpu.memref_slice %arg6[%dma_start3A_640, %dma_start3A_641] : memref<32x1024xf32, #tpu.memory_space<vmem>> -> memref<32x128xf32, #tpu.memory_space<vmem>>
        %dma_start3A_643 = arith.constant 0 : i32
        %dma_start3A_644 = tpu.memref_slice %arg2[%dma_start3A_643, %multiple_of3A_639] : memref<32x1000000xf32, #tpu.memory_space<hbm>> -> memref<32x128xf32, #tpu.memory_space<hbm>>
        %dma_start3A_645 = arith.constant 0 : i32
        %dma_start3A_646 = arith.constant 256 : i32
        %dma_start3A_647 = tpu.memref_slice %arg6[%dma_start3A_645, %dma_start3A_646] : memref<32x1024xf32, #tpu.memory_space<vmem>> -> memref<32x128xf32, #tpu.memory_space<vmem>>
        %dma_start3A_648 = arith.constant 0 : i32
        %dma_start3A_649 = tpu.memref_slice %arg2[%dma_start3A_648, %multiple_of3A_639] : memref<32x1000000xf32, #tpu.memory_space<hbm>> -> memref<32x128xf32, #tpu.memory_space<hbm>>
        tpu.enqueue_dma source(%dma_start3A_649 : memref<32x128xf32, #tpu.memory_space<hbm>>) target(%dma_start3A_647 : memref<32x128xf32, #tpu.memory_space<vmem>>) target_semaphore(%arg10 : memref<!tpu.dma_semaphore, #tpu.memory_space<semaphore_mem>>)
        %slice3A_650 = vector.extract_strided_slice %get3A_598 {offsets = [3], sizes = [1], strides = [1]} : vector<16xi32> to vector<1xi32>
        %squeeze3A_651 = vector.extract %slice3A_650[0] : i32 from vector<1xi32>
        %shift_right_arithmetic3A_652 = arith.constant 7 : i32
        %shift_right_arithmetic3A_653 = arith.shrsi %squeeze3A_651, %shift_right_arithmetic3A_652 : i32
        %mul3A_654 = arith.constant 128 : i32
        %mul3A_655 = arith.muli %shift_right_arithmetic3A_653, %mul3A_654 : i32
        %multiple_of3A_656 = tpu.assume_multiple %mul3A_655, 128 : i32
        %dma_start3A_657 = arith.constant 0 : i32
        %dma_start3A_658 = arith.constant 384 : i32
        %dma_start3A_659 = tpu.memref_slice %arg6[%dma_start3A_657, %dma_start3A_658] : memref<32x1024xf32, #tpu.memory_space<vmem>> -> memref<32x128xf32, #tpu.memory_space<vmem>>
        %dma_start3A_660 = arith.constant 0 : i32
        %dma_start3A_661 = tpu.memref_slice %arg2[%dma_start3A_660, %multiple_of3A_656] : memref<32x1000000xf32, #tpu.memory_space<hbm>> -> memref<32x128xf32, #tpu.memory_space<hbm>>
        %dma_start3A_662 = arith.constant 0 : i32
        %dma_start3A_663 = arith.constant 384 : i32
        %dma_start3A_664 = tpu.memref_slice %arg6[%dma_start3A_662, %dma_start3A_663] : memref<32x1024xf32, #tpu.memory_space<vmem>> -> memref<32x128xf32, #tpu.memory_space<vmem>>
        %dma_start3A_665 = arith.constant 0 : i32
        %dma_start3A_666 = tpu.memref_slice %arg2[%dma_start3A_665, %multiple_of3A_656] : memref<32x1000000xf32, #tpu.memory_space<hbm>> -> memref<32x128xf32, #tpu.memory_space<hbm>>
        tpu.enqueue_dma source(%dma_start3A_666 : memref<32x128xf32, #tpu.memory_space<hbm>>) target(%dma_start3A_664 : memref<32x128xf32, #tpu.memory_space<vmem>>) target_semaphore(%arg10 : memref<!tpu.dma_semaphore, #tpu.memory_space<semaphore_mem>>)
        %slice3A_667 = vector.extract_strided_slice %get3A_598 {offsets = [4], sizes = [1], strides = [1]} : vector<16xi32> to vector<1xi32>
        %squeeze3A_668 = vector.extract %slice3A_667[0] : i32 from vector<1xi32>
        %shift_right_arithmetic3A_669 = arith.constant 7 : i32
        %shift_right_arithmetic3A_670 = arith.shrsi %squeeze3A_668, %shift_right_arithmetic3A_669 : i32
        %mul3A_671 = arith.constant 128 : i32
        %mul3A_672 = arith.muli %shift_right_arithmetic3A_670, %mul3A_671 : i32
        %multiple_of3A_673 = tpu.assume_multiple %mul3A_672, 128 : i32
        %dma_start3A_674 = arith.constant 0 : i32
        %dma_start3A_675 = arith.constant 512 : i32
        %dma_start3A_676 = tpu.memref_slice %arg6[%dma_start3A_674, %dma_start3A_675] : memref<32x1024xf32, #tpu.memory_space<vmem>> -> memref<32x128xf32, #tpu.memory_space<vmem>>
        %dma_start3A_677 = arith.constant 0 : i32
        %dma_start3A_678 = tpu.memref_slice %arg2[%dma_start3A_677, %multiple_of3A_673] : memref<32x1000000xf32, #tpu.memory_space<hbm>> -> memref<32x128xf32, #tpu.memory_space<hbm>>
        %dma_start3A_679 = arith.constant 0 : i32
        %dma_start3A_680 = arith.constant 512 : i32
        %dma_start3A_681 = tpu.memref_slice %arg6[%dma_start3A_679, %dma_start3A_680] : memref<32x1024xf32, #tpu.memory_space<vmem>> -> memref<32x128xf32, #tpu.memory_space<vmem>>
        %dma_start3A_682 = arith.constant 0 : i32
        %dma_start3A_683 = tpu.memref_slice %arg2[%dma_start3A_682, %multiple_of3A_673] : memref<32x1000000xf32, #tpu.memory_space<hbm>> -> memref<32x128xf32, #tpu.memory_space<hbm>>
        tpu.enqueue_dma source(%dma_start3A_683 : memref<32x128xf32, #tpu.memory_space<hbm>>) target(%dma_start3A_681 : memref<32x128xf32, #tpu.memory_space<vmem>>) target_semaphore(%arg10 : memref<!tpu.dma_semaphore, #tpu.memory_space<semaphore_mem>>)
        %slice3A_684 = vector.extract_strided_slice %get3A_598 {offsets = [5], sizes = [1], strides = [1]} : vector<16xi32> to vector<1xi32>
        %squeeze3A_685 = vector.extract %slice3A_684[0] : i32 from vector<1xi32>
        %shift_right_arithmetic3A_686 = arith.constant 7 : i32
        %shift_right_arithmetic3A_687 = arith.shrsi %squeeze3A_685, %shift_right_arithmetic3A_686 : i32
        %mul3A_688 = arith.constant 128 : i32
        %mul3A_689 = arith.muli %shift_right_arithmetic3A_687, %mul3A_688 : i32
        %multiple_of3A_690 = tpu.assume_multiple %mul3A_689, 128 : i32
        %dma_start3A_691 = arith.constant 0 : i32
        %dma_start3A_692 = arith.constant 640 : i32
        %dma_start3A_693 = tpu.memref_slice %arg6[%dma_start3A_691, %dma_start3A_692] : memref<32x1024xf32, #tpu.memory_space<vmem>> -> memref<32x128xf32, #tpu.memory_space<vmem>>
        %dma_start3A_694 = arith.constant 0 : i32
        %dma_start3A_695 = tpu.memref_slice %arg2[%dma_start3A_694, %multiple_of3A_690] : memref<32x1000000xf32, #tpu.memory_space<hbm>> -> memref<32x128xf32, #tpu.memory_space<hbm>>
        %dma_start3A_696 = arith.constant 0 : i32
        %dma_start3A_697 = arith.constant 640 : i32
        %dma_start3A_698 = tpu.memref_slice %arg6[%dma_start3A_696, %dma_start3A_697] : memref<32x1024xf32, #tpu.memory_space<vmem>> -> memref<32x128xf32, #tpu.memory_space<vmem>>
        %dma_start3A_699 = arith.constant 0 : i32
        %dma_start3A_700 = tpu.memref_slice %arg2[%dma_start3A_699, %multiple_of3A_690] : memref<32x1000000xf32, #tpu.memory_space<hbm>> -> memref<32x128xf32, #tpu.memory_space<hbm>>
        tpu.enqueue_dma source(%dma_start3A_700 : memref<32x128xf32, #tpu.memory_space<hbm>>) target(%dma_start3A_698 : memref<32x128xf32, #tpu.memory_space<vmem>>) target_semaphore(%arg10 : memref<!tpu.dma_semaphore, #tpu.memory_space<semaphore_mem>>)
        %slice3A_701 = vector.extract_strided_slice %get3A_598 {offsets = [6], sizes = [1], strides = [1]} : vector<16xi32> to vector<1xi32>
        %squeeze3A_702 = vector.extract %slice3A_701[0] : i32 from vector<1xi32>
        %shift_right_arithmetic3A_703 = arith.constant 7 : i32
        %shift_right_arithmetic3A_704 = arith.shrsi %squeeze3A_702, %shift_right_arithmetic3A_703 : i32
        %mul3A_705 = arith.constant 128 : i32
        %mul3A_706 = arith.muli %shift_right_arithmetic3A_704, %mul3A_705 : i32
        %multiple_of3A_707 = tpu.assume_multiple %mul3A_706, 128 : i32
        %dma_start3A_708 = arith.constant 0 : i32
        %dma_start3A_709 = arith.constant 768 : i32
        %dma_start3A_710 = tpu.memref_slice %arg6[%dma_start3A_708, %dma_start3A_709] : memref<32x1024xf32, #tpu.memory_space<vmem>> -> memref<32x128xf32, #tpu.memory_space<vmem>>
        %dma_start3A_711 = arith.constant 0 : i32
        %dma_start3A_712 = tpu.memref_slice %arg2[%dma_start3A_711, %multiple_of3A_707] : memref<32x1000000xf32, #tpu.memory_space<hbm>> -> memref<32x128xf32, #tpu.memory_space<hbm>>
        %dma_start3A_713 = arith.constant 0 : i32
        %dma_start3A_714 = arith.constant 768 : i32
        %dma_start3A_715 = tpu.memref_slice %arg6[%dma_start3A_713, %dma_start3A_714] : memref<32x1024xf32, #tpu.memory_space<vmem>> -> memref<32x128xf32, #tpu.memory_space<vmem>>
        %dma_start3A_716 = arith.constant 0 : i32
        %dma_start3A_717 = tpu.memref_slice %arg2[%dma_start3A_716, %multiple_of3A_707] : memref<32x1000000xf32, #tpu.memory_space<hbm>> -> memref<32x128xf32, #tpu.memory_space<hbm>>
        tpu.enqueue_dma source(%dma_start3A_717 : memref<32x128xf32, #tpu.memory_space<hbm>>) target(%dma_start3A_715 : memref<32x128xf32, #tpu.memory_space<vmem>>) target_semaphore(%arg10 : memref<!tpu.dma_semaphore, #tpu.memory_space<semaphore_mem>>)
        %slice3A_718 = vector.extract_strided_slice %get3A_598 {offsets = [7], sizes = [1], strides = [1]} : vector<16xi32> to vector<1xi32>
        %squeeze3A_719 = vector.extract %slice3A_718[0] : i32 from vector<1xi32>
        %shift_right_arithmetic3A_720 = arith.constant 7 : i32
        %shift_right_arithmetic3A_721 = arith.shrsi %squeeze3A_719, %shift_right_arithmetic3A_720 : i32
        %mul3A_722 = arith.constant 128 : i32
        %mul3A_723 = arith.muli %shift_right_arithmetic3A_721, %mul3A_722 : i32
        %multiple_of3A_724 = tpu.assume_multiple %mul3A_723, 128 : i32
        %dma_start3A_725 = arith.constant 0 : i32
        %dma_start3A_726 = arith.constant 896 : i32
        %dma_start3A_727 = tpu.memref_slice %arg6[%dma_start3A_725, %dma_start3A_726] : memref<32x1024xf32, #tpu.memory_space<vmem>> -> memref<32x128xf32, #tpu.memory_space<vmem>>
        %dma_start3A_728 = arith.constant 0 : i32
        %dma_start3A_729 = tpu.memref_slice %arg2[%dma_start3A_728, %multiple_of3A_724] : memref<32x1000000xf32, #tpu.memory_space<hbm>> -> memref<32x128xf32, #tpu.memory_space<hbm>>
        %dma_start3A_730 = arith.constant 0 : i32
        %dma_start3A_731 = arith.constant 896 : i32
        %dma_start3A_732 = tpu.memref_slice %arg6[%dma_start3A_730, %dma_start3A_731] : memref<32x1024xf32, #tpu.memory_space<vmem>> -> memref<32x128xf32, #tpu.memory_space<vmem>>
        %dma_start3A_733 = arith.constant 0 : i32
        %dma_start3A_734 = tpu.memref_slice %arg2[%dma_start3A_733, %multiple_of3A_724] : memref<32x1000000xf32, #tpu.memory_space<hbm>> -> memref<32x128xf32, #tpu.memory_space<hbm>>
        tpu.enqueue_dma source(%dma_start3A_734 : memref<32x128xf32, #tpu.memory_space<hbm>>) target(%dma_start3A_732 : memref<32x128xf32, #tpu.memory_space<vmem>>) target_semaphore(%arg10 : memref<!tpu.dma_semaphore, #tpu.memory_space<semaphore_mem>>)
      } else {
      }
      %dma_wait3A_438 = arith.constant 0 : i32
      %dma_wait3A_439 = arith.constant 0 : i32
      %dma_wait3A_440 = tpu.memref_slice %arg2[%dma_wait3A_438, %dma_wait3A_439] : memref<32x1000000xf32, #tpu.memory_space<hbm>> -> memref<32x1024xf32, #tpu.memory_space<hbm>>
      %dma_wait3A_441 = arith.constant 0 : i32
      %dma_wait3A_442 = arith.constant 0 : i32
      %dma_wait3A_443 = tpu.memref_slice %arg2[%dma_wait3A_441, %dma_wait3A_442] : memref<32x1000000xf32, #tpu.memory_space<hbm>> -> memref<32x1024xf32, #tpu.memory_space<hbm>>
      tpu.wait_dma2 semaphore(%arg11 : memref<!tpu.dma_semaphore, #tpu.memory_space<semaphore_mem>>) src(%dma_wait3A_443 : memref<32x1024xf32, #tpu.memory_space<hbm>>) dst(%arg7 : memref<32x1024xf32, #tpu.memory_space<vmem>>)
      %add3A_444 = arith.constant 1 : i32
      %add3A_445 = arith.addi %mul3A_145, %add3A_444 : i32
      %and3A_446 = arith.constant 127 : i32
      %and3A_447 = vector.broadcast %and3A_446 : i32 to vector<16xi32>
      %and3A_448 = arith.andi %get3A_149, %and3A_447 : vector<16xi32>
      %slice3A_449 = vector.extract_strided_slice %and3A_448 {offsets = [8], sizes = [1], strides = [1]} : vector<16xi32> to vector<1xi32>
      %squeeze3A_450 = vector.extract %slice3A_449[0] : i32 from vector<1xi32>
      %add3A_451 = arith.constant 0 : i32
      %add3A_452 = arith.addi %add3A_451, %squeeze3A_450 : i32
      %broadcast_in_dim3A_453 = vector.broadcast %add3A_452 : i32 to vector<16xi32>
      %mul3A_454 = arith.constant 8 : i32
      %mul3A_455 = arith.muli %add3A_445, %mul3A_454 : i32
      %add3A_456 = arith.constant 0 : i32
      %add3A_457 = arith.addi %mul3A_455, %add3A_456 : i32
      %broadcast_in_dim3A_458 = vector.broadcast %add3A_457 : i32 to vector<16xi32>
      %gather3A_459 = tpu.vector_load_idx %arg7[%iota3A, %broadcast_in_dim3A_453] : memref<32x1024xf32, #tpu.memory_space<vmem>>[vector<16xi32>, vector<16xi32>], vector<16xf32>,
      %add3A_460 = arith.constant 16 : i32
      %add3A_461 = vector.broadcast %add3A_460 : i32 to vector<16xi32>
      %add3A_462 = arith.addi %iota3A, %add3A_461 : vector<16xi32>
      %gather3A_463 = tpu.vector_load_idx %arg7[%add3A_462, %broadcast_in_dim3A_453] : memref<32x1024xf32, #tpu.memory_space<vmem>>[vector<16xi32>, vector<16xi32>], vector<16xf32>,
      tpu.vector_store_idx %arg8[%iota3A, %broadcast_in_dim3A_458], %gather3A_459 : memref<32x512xf32, #tpu.memory_space<vmem>>[vector<16xi32>, vector<16xi32>], vector<16xf32>,
      %add3A_464 = arith.constant 16 : i32
      %add3A_465 = vector.broadcast %add3A_464 : i32 to vector<16xi32>
      %add3A_466 = arith.addi %iota3A, %add3A_465 : vector<16xi32>
      tpu.vector_store_idx %arg8[%add3A_466, %broadcast_in_dim3A_458], %gather3A_463 : memref<32x512xf32, #tpu.memory_space<vmem>>[vector<16xi32>, vector<16xi32>], vector<16xf32>,
      %slice3A_467 = vector.extract_strided_slice %and3A_448 {offsets = [9], sizes = [1], strides = [1]} : vector<16xi32> to vector<1xi32>
      %squeeze3A_468 = vector.extract %slice3A_467[0] : i32 from vector<1xi32>
      %add3A_469 = arith.constant 128 : i32
      %add3A_470 = arith.addi %add3A_469, %squeeze3A_468 : i32
      %broadcast_in_dim3A_471 = vector.broadcast %add3A_470 : i32 to vector<16xi32>
      %mul3A_472 = arith.constant 8 : i32
      %mul3A_473 = arith.muli %add3A_445, %mul3A_472 : i32
      %add3A_474 = arith.constant 1 : i32
      %add3A_475 = arith.addi %mul3A_473, %add3A_474 : i32
      %broadcast_in_dim3A_476 = vector.broadcast %add3A_475 : i32 to vector<16xi32>
      %gather3A_477 = tpu.vector_load_idx %arg7[%iota3A, %broadcast_in_dim3A_471] : memref<32x1024xf32, #tpu.memory_space<vmem>>[vector<16xi32>, vector<16xi32>], vector<16xf32>,
      %add3A_478 = arith.constant 16 : i32
      %add3A_479 = vector.broadcast %add3A_478 : i32 to vector<16xi32>
      %add3A_480 = arith.addi %iota3A, %add3A_479 : vector<16xi32>
      %gather3A_481 = tpu.vector_load_idx %arg7[%add3A_480, %broadcast_in_dim3A_471] : memref<32x1024xf32, #tpu.memory_space<vmem>>[vector<16xi32>, vector<16xi32>], vector<16xf32>,
      tpu.vector_store_idx %arg8[%iota3A, %broadcast_in_dim3A_476], %gather3A_477 : memref<32x512xf32, #tpu.memory_space<vmem>>[vector<16xi32>, vector<16xi32>], vector<16xf32>,
      %add3A_482 = arith.constant 16 : i32
      %add3A_483 = vector.broadcast %add3A_482 : i32 to vector<16xi32>
      %add3A_484 = arith.addi %iota3A, %add3A_483 : vector<16xi32>
      tpu.vector_store_idx %arg8[%add3A_484, %broadcast_in_dim3A_476], %gather3A_481 : memref<32x512xf32, #tpu.memory_space<vmem>>[vector<16xi32>, vector<16xi32>], vector<16xf32>,
      %slice3A_485 = vector.extract_strided_slice %and3A_448 {offsets = [10], sizes = [1], strides = [1]} : vector<16xi32> to vector<1xi32>
      %squeeze3A_486 = vector.extract %slice3A_485[0] : i32 from vector<1xi32>
      %add3A_487 = arith.constant 256 : i32
      %add3A_488 = arith.addi %add3A_487, %squeeze3A_486 : i32
      %broadcast_in_dim3A_489 = vector.broadcast %add3A_488 : i32 to vector<16xi32>
      %mul3A_490 = arith.constant 8 : i32
      %mul3A_491 = arith.muli %add3A_445, %mul3A_490 : i32
      %add3A_492 = arith.constant 2 : i32
      %add3A_493 = arith.addi %mul3A_491, %add3A_492 : i32
      %broadcast_in_dim3A_494 = vector.broadcast %add3A_493 : i32 to vector<16xi32>
      %gather3A_495 = tpu.vector_load_idx %arg7[%iota3A, %broadcast_in_dim3A_489] : memref<32x1024xf32, #tpu.memory_space<vmem>>[vector<16xi32>, vector<16xi32>], vector<16xf32>,
      %add3A_496 = arith.constant 16 : i32
      %add3A_497 = vector.broadcast %add3A_496 : i32 to vector<16xi32>
      %add3A_498 = arith.addi %iota3A, %add3A_497 : vector<16xi32>
      %gather3A_499 = tpu.vector_load_idx %arg7[%add3A_498, %broadcast_in_dim3A_489] : memref<32x1024xf32, #tpu.memory_space<vmem>>[vector<16xi32>, vector<16xi32>], vector<16xf32>,
      tpu.vector_store_idx %arg8[%iota3A, %broadcast_in_dim3A_494], %gather3A_495 : memref<32x512xf32, #tpu.memory_space<vmem>>[vector<16xi32>, vector<16xi32>], vector<16xf32>,
      %add3A_500 = arith.constant 16 : i32
      %add3A_501 = vector.broadcast %add3A_500 : i32 to vector<16xi32>
      %add3A_502 = arith.addi %iota3A, %add3A_501 : vector<16xi32>
      tpu.vector_store_idx %arg8[%add3A_502, %broadcast_in_dim3A_494], %gather3A_499 : memref<32x512xf32, #tpu.memory_space<vmem>>[vector<16xi32>, vector<16xi32>], vector<16xf32>,
      %slice3A_503 = vector.extract_strided_slice %and3A_448 {offsets = [11], sizes = [1], strides = [1]} : vector<16xi32> to vector<1xi32>
      %squeeze3A_504 = vector.extract %slice3A_503[0] : i32 from vector<1xi32>
      %add3A_505 = arith.constant 384 : i32
      %add3A_506 = arith.addi %add3A_505, %squeeze3A_504 : i32
      %broadcast_in_dim3A_507 = vector.broadcast %add3A_506 : i32 to vector<16xi32>
      %mul3A_508 = arith.constant 8 : i32
      %mul3A_509 = arith.muli %add3A_445, %mul3A_508 : i32
      %add3A_510 = arith.constant 3 : i32
      %add3A_511 = arith.addi %mul3A_509, %add3A_510 : i32
      %broadcast_in_dim3A_512 = vector.broadcast %add3A_511 : i32 to vector<16xi32>
      %gather3A_513 = tpu.vector_load_idx %arg7[%iota3A, %broadcast_in_dim3A_507] : memref<32x1024xf32, #tpu.memory_space<vmem>>[vector<16xi32>, vector<16xi32>], vector<16xf32>,
      %add3A_514 = arith.constant 16 : i32
      %add3A_515 = vector.broadcast %add3A_514 : i32 to vector<16xi32>
      %add3A_516 = arith.addi %iota3A, %add3A_515 : vector<16xi32>
      %gather3A_517 = tpu.vector_load_idx %arg7[%add3A_516, %broadcast_in_dim3A_507] : memref<32x1024xf32, #tpu.memory_space<vmem>>[vector<16xi32>, vector<16xi32>], vector<16xf32>,
      tpu.vector_store_idx %arg8[%iota3A, %broadcast_in_dim3A_512], %gather3A_513 : memref<32x512xf32, #tpu.memory_space<vmem>>[vector<16xi32>, vector<16xi32>], vector<16xf32>,
      %add3A_518 = arith.constant 16 : i32
      %add3A_519 = vector.broadcast %add3A_518 : i32 to vector<16xi32>
      %add3A_520 = arith.addi %iota3A, %add3A_519 : vector<16xi32>
      tpu.vector_store_idx %arg8[%add3A_520, %broadcast_in_dim3A_512], %gather3A_517 : memref<32x512xf32, #tpu.memory_space<vmem>>[vector<16xi32>, vector<16xi32>], vector<16xf32>,
      %slice3A_521 = vector.extract_strided_slice %and3A_448 {offsets = [12], sizes = [1], strides = [1]} : vector<16xi32> to vector<1xi32>
      %squeeze3A_522 = vector.extract %slice3A_521[0] : i32 from vector<1xi32>
      %add3A_523 = arith.constant 512 : i32
      %add3A_524 = arith.addi %add3A_523, %squeeze3A_522 : i32
      %broadcast_in_dim3A_525 = vector.broadcast %add3A_524 : i32 to vector<16xi32>
      %mul3A_526 = arith.constant 8 : i32
      %mul3A_527 = arith.muli %add3A_445, %mul3A_526 : i32
      %add3A_528 = arith.constant 4 : i32
      %add3A_529 = arith.addi %mul3A_527, %add3A_528 : i32
      %broadcast_in_dim3A_530 = vector.broadcast %add3A_529 : i32 to vector<16xi32>
      %gather3A_531 = tpu.vector_load_idx %arg7[%iota3A, %broadcast_in_dim3A_525] : memref<32x1024xf32, #tpu.memory_space<vmem>>[vector<16xi32>, vector<16xi32>], vector<16xf32>,
      %add3A_532 = arith.constant 16 : i32
      %add3A_533 = vector.broadcast %add3A_532 : i32 to vector<16xi32>
      %add3A_534 = arith.addi %iota3A, %add3A_533 : vector<16xi32>
      %gather3A_535 = tpu.vector_load_idx %arg7[%add3A_534, %broadcast_in_dim3A_525] : memref<32x1024xf32, #tpu.memory_space<vmem>>[vector<16xi32>, vector<16xi32>], vector<16xf32>,
      tpu.vector_store_idx %arg8[%iota3A, %broadcast_in_dim3A_530], %gather3A_531 : memref<32x512xf32, #tpu.memory_space<vmem>>[vector<16xi32>, vector<16xi32>], vector<16xf32>,
      %add3A_536 = arith.constant 16 : i32
      %add3A_537 = vector.broadcast %add3A_536 : i32 to vector<16xi32>
      %add3A_538 = arith.addi %iota3A, %add3A_537 : vector<16xi32>
      tpu.vector_store_idx %arg8[%add3A_538, %broadcast_in_dim3A_530], %gather3A_535 : memref<32x512xf32, #tpu.memory_space<vmem>>[vector<16xi32>, vector<16xi32>], vector<16xf32>,
      %slice3A_539 = vector.extract_strided_slice %and3A_448 {offsets = [13], sizes = [1], strides = [1]} : vector<16xi32> to vector<1xi32>
      %squeeze3A_540 = vector.extract %slice3A_539[0] : i32 from vector<1xi32>
      %add3A_541 = arith.constant 640 : i32
      %add3A_542 = arith.addi %add3A_541, %squeeze3A_540 : i32
      %broadcast_in_dim3A_543 = vector.broadcast %add3A_542 : i32 to vector<16xi32>
      %mul3A_544 = arith.constant 8 : i32
      %mul3A_545 = arith.muli %add3A_445, %mul3A_544 : i32
      %add3A_546 = arith.constant 5 : i32
      %add3A_547 = arith.addi %mul3A_545, %add3A_546 : i32
      %broadcast_in_dim3A_548 = vector.broadcast %add3A_547 : i32 to vector<16xi32>
      %gather3A_549 = tpu.vector_load_idx %arg7[%iota3A, %broadcast_in_dim3A_543] : memref<32x1024xf32, #tpu.memory_space<vmem>>[vector<16xi32>, vector<16xi32>], vector<16xf32>,
      %add3A_550 = arith.constant 16 : i32
      %add3A_551 = vector.broadcast %add3A_550 : i32 to vector<16xi32>
      %add3A_552 = arith.addi %iota3A, %add3A_551 : vector<16xi32>
      %gather3A_553 = tpu.vector_load_idx %arg7[%add3A_552, %broadcast_in_dim3A_543] : memref<32x1024xf32, #tpu.memory_space<vmem>>[vector<16xi32>, vector<16xi32>], vector<16xf32>,
      tpu.vector_store_idx %arg8[%iota3A, %broadcast_in_dim3A_548], %gather3A_549 : memref<32x512xf32, #tpu.memory_space<vmem>>[vector<16xi32>, vector<16xi32>], vector<16xf32>,
      %add3A_554 = arith.constant 16 : i32
      %add3A_555 = vector.broadcast %add3A_554 : i32 to vector<16xi32>
      %add3A_556 = arith.addi %iota3A, %add3A_555 : vector<16xi32>
      tpu.vector_store_idx %arg8[%add3A_556, %broadcast_in_dim3A_548], %gather3A_553 : memref<32x512xf32, #tpu.memory_space<vmem>>[vector<16xi32>, vector<16xi32>], vector<16xf32>,
      %slice3A_557 = vector.extract_strided_slice %and3A_448 {offsets = [14], sizes = [1], strides = [1]} : vector<16xi32> to vector<1xi32>
      %squeeze3A_558 = vector.extract %slice3A_557[0] : i32 from vector<1xi32>
      %add3A_559 = arith.constant 768 : i32
      %add3A_560 = arith.addi %add3A_559, %squeeze3A_558 : i32
      %broadcast_in_dim3A_561 = vector.broadcast %add3A_560 : i32 to vector<16xi32>
      %mul3A_562 = arith.constant 8 : i32
      %mul3A_563 = arith.muli %add3A_445, %mul3A_562 : i32
      %add3A_564 = arith.constant 6 : i32
      %add3A_565 = arith.addi %mul3A_563, %add3A_564 : i32
      %broadcast_in_dim3A_566 = vector.broadcast %add3A_565 : i32 to vector<16xi32>
      %gather3A_567 = tpu.vector_load_idx %arg7[%iota3A, %broadcast_in_dim3A_561] : memref<32x1024xf32, #tpu.memory_space<vmem>>[vector<16xi32>, vector<16xi32>], vector<16xf32>,
      %add3A_568 = arith.constant 16 : i32
      %add3A_569 = vector.broadcast %add3A_568 : i32 to vector<16xi32>
      %add3A_570 = arith.addi %iota3A, %add3A_569 : vector<16xi32>
      %gather3A_571 = tpu.vector_load_idx %arg7[%add3A_570, %broadcast_in_dim3A_561] : memref<32x1024xf32, #tpu.memory_space<vmem>>[vector<16xi32>, vector<16xi32>], vector<16xf32>,
      tpu.vector_store_idx %arg8[%iota3A, %broadcast_in_dim3A_566], %gather3A_567 : memref<32x512xf32, #tpu.memory_space<vmem>>[vector<16xi32>, vector<16xi32>], vector<16xf32>,
      %add3A_572 = arith.constant 16 : i32
      %add3A_573 = vector.broadcast %add3A_572 : i32 to vector<16xi32>
      %add3A_574 = arith.addi %iota3A, %add3A_573 : vector<16xi32>
      tpu.vector_store_idx %arg8[%add3A_574, %broadcast_in_dim3A_566], %gather3A_571 : memref<32x512xf32, #tpu.memory_space<vmem>>[vector<16xi32>, vector<16xi32>], vector<16xf32>,
      %slice3A_575 = vector.extract_strided_slice %and3A_448 {offsets = [15], sizes = [1], strides = [1]} : vector<16xi32> to vector<1xi32>
      %squeeze3A_576 = vector.extract %slice3A_575[0] : i32 from vector<1xi32>
      %add3A_577 = arith.constant 896 : i32
      %add3A_578 = arith.addi %add3A_577, %squeeze3A_576 : i32
      %broadcast_in_dim3A_579 = vector.broadcast %add3A_578 : i32 to vector<16xi32>
      %mul3A_580 = arith.constant 8 : i32
      %mul3A_581 = arith.muli %add3A_445, %mul3A_580 : i32
      %add3A_582 = arith.constant 7 : i32
      %add3A_583 = arith.addi %mul3A_581, %add3A_582 : i32
      %broadcast_in_dim3A_584 = vector.broadcast %add3A_583 : i32 to vector<16xi32>
      %gather3A_585 = tpu.vector_load_idx %arg7[%iota3A, %broadcast_in_dim3A_579] : memref<32x1024xf32, #tpu.memory_space<vmem>>[vector<16xi32>, vector<16xi32>], vector<16xf32>,
      %add3A_586 = arith.constant 16 : i32
      %add3A_587 = vector.broadcast %add3A_586 : i32 to vector<16xi32>
      %add3A_588 = arith.addi %iota3A, %add3A_587 : vector<16xi32>
      %gather3A_589 = tpu.vector_load_idx %arg7[%add3A_588, %broadcast_in_dim3A_579] : memref<32x1024xf32, #tpu.memory_space<vmem>>[vector<16xi32>, vector<16xi32>], vector<16xf32>,
      tpu.vector_store_idx %arg8[%iota3A, %broadcast_in_dim3A_584], %gather3A_585 : memref<32x512xf32, #tpu.memory_space<vmem>>[vector<16xi32>, vector<16xi32>], vector<16xf32>,
      %add3A_590 = arith.constant 16 : i32
      %add3A_591 = vector.broadcast %add3A_590 : i32 to vector<16xi32>
      %add3A_592 = arith.addi %iota3A, %add3A_591 : vector<16xi32>
      tpu.vector_store_idx %arg8[%add3A_592, %broadcast_in_dim3A_584], %gather3A_589 : memref<32x512xf32, #tpu.memory_space<vmem>>[vector<16xi32>, vector<16xi32>], vector<16xf32>,
    }
    %scan3A_142 = arith.constant 32 : i32
    "tpu.region"() ({
      %run_scoped3A = tpu.sem_alloc : memref<!tpu.dma_semaphore, #tpu.memory_space<semaphore_mem>>
      %dma_start3A_143 = arith.constant 0 : i32
      %dma_start3A_144 = tpu.memref_slice %arg4[%dma_start3A_143, %mul3A_2] : memref<32x16384xf32, #tpu.memory_space<hbm>> -> memref<32x512xf32, #tpu.memory_space<hbm>>
      %dma_start3A_145 = arith.constant 0 : i32
      %dma_start3A_146 = tpu.memref_slice %arg4[%dma_start3A_145, %mul3A_2] : memref<32x16384xf32, #tpu.memory_space<hbm>> -> memref<32x512xf32, #tpu.memory_space<hbm>>
      tpu.enqueue_dma source(%arg8 : memref<32x512xf32, #tpu.memory_space<vmem>>) target(%dma_start3A_146 : memref<32x512xf32, #tpu.memory_space<hbm>>) target_semaphore(%run_scoped3A : memref<!tpu.dma_semaphore, #tpu.memory_space<semaphore_mem>>)
      %dma_wait3A_147 = arith.constant 0 : i32
      %dma_wait3A_148 = tpu.memref_slice %arg4[%dma_wait3A_147, %mul3A_2] : memref<32x16384xf32, #tpu.memory_space<hbm>> -> memref<32x512xf32, #tpu.memory_space<hbm>>
      %dma_wait3A_149 = arith.constant 0 : i32
      %dma_wait3A_150 = tpu.memref_slice %arg4[%dma_wait3A_149, %mul3A_2] : memref<32x16384xf32, #tpu.memory_space<hbm>> -> memref<32x512xf32, #tpu.memory_space<hbm>>
      tpu.wait_dma2 semaphore(%run_scoped3A : memref<!tpu.dma_semaphore, #tpu.memory_space<semaphore_mem>>) src(%arg8 : memref<32x512xf32, #tpu.memory_space<vmem>>) dst(%dma_wait3A_150 : memref<32x512xf32, #tpu.memory_space<hbm>>)
      tpu.yield
    }) : () -> ()
    return
  }
}

</mosaic_0001>

<sc_bundles>
// kernel: kernel.3.cloned.1.call-start
scs
__scs_entry_jumppad:
0x0: {  	(pc) =	sbr.rel $0x88, $3  }
0x1: {  	(tag) =	ssettag $0x0;
	lr =	simm.s32 $0x1  }
0x2: {  	[smem:$0x3F9F] =	sst lr;
	_ =	strace $0xD0000000  }
0x3: {  	_ = 	snop  }
0x4: {  	_ = 	snop  }
0x5: {  	_ = 	snop  }
0x6: {  	_ = 	snop  }
0x7: {  	_ = 	snop  }
__scs_overlays_trampoline_lowered:
0x8: {  	[smem:$0x3FAE] =	sst s0  }
0x9: {  	[smem:$0x3FAF] =	sst s1  }
0xa: {  	[smem:$0x3FB0] =	sst s2  }
0xb: {  	[smem:$0x3FB1] =	sst s3  }
0xc: {  	[smem:$0x3FB2] =	sst s4  }
0xd: {  	[smem:$0x3FB3] =	sst s5  }
0xe: {  	[smem:$0x3FB4] =	sst s6  }
0xf: {  	[smem:$0x3FB5] =	sst s7  }
0x10: {  	[smem:$0x3FB6] =	sst s8  }
0x11: {  	[smem:$0x3FB7] =	sst s9;
	s0 =	simm.s32 @!p0 $0x0  }
0x12: {  	s1 =	sld [smem:$0x3F9D];
	s0 =	simm.s32 @p0 $0x1  }
0x13: {  	[smem:$0x3FB8] =	sst s0;
	s0 =	simm.s32 @!p1 $0x0  }
0x14: {  	s2 =	sld [smem:$0x3F9C];
	s0 =	simm.s32 @p1 $0x1  }
0x15: {  	[smem:$0x3FB9] =	sst s0;
	s0 =	simm.s32 @!p2 $0x0  }
0x16: {  	s3 =	sld [smem:$0x3FDB];
	s0 =	simm.s32 @p2 $0x1  }
0x17: {  	s4 =	simm.s32 $0x1BF5;
	[smem:$0x3FBB] =	sst s0  }
0x18: {  	s0 =	sld [smem:$0x3F9E];
	_ =	swait.ge [sflag:s4], $0x0  }
0x19: {  	s7 =	sld [smem:$0x3F9F]  }
0x1a: {  	s8 =	sadd.s32 $0xFFFFE003, lr  }
0x1b: {  	s9 =	sadd.s32 $0xFFFFFEF7, lr;
	s5 =	simm.s32 $0xFFFFFFFF;
	p2 =	slt.u32 s8, $0xFFFFF086  }
0x1c: {  	p1 =	slt.u32 s9, $0xF7A;
	s5 =	simm.s32 @!p2 $0x0  }
0x1d: {  	s5 =	simm.s32 @p1 $0x1;
	p0 =	seq.s32 s7, s2  }
0x1e: {  	s7 =	smul.u32 @!p0 $0xF7A, s2;
	p2 =	seq.s32 @!p0 s5, $0x0  }
0x1f: {  	s9 =	smul.u32 $0xF7A, s1;
	s8 =	simm.s32 @!p0 $0x1BF5;
	p2 =	por !p2, p0  }
0x20: {  	[sflag:s8] =	ssyncset.s32 @!p0 $0xFFFFF086;
	s6 =	sadd.s32 @!p0 s3, s7;
	s7 =	simm.s32 @!p0 $0x108  }
0x21: {  	s3 =	sadd.s32 s3, s9;
	s6 =	sadd.s32 @!p0 $0x88, s6;
	s7 =	simm.s32 @p2 $0x1082  }
0x22: {  	[simem:s7], [sflag:s8] =	dma.local @!p0 [hbm:s6], $0xF7A  }
0x23: {  	s9 =	sor.u32 $0xD0000000, s2;
	s6 =	simm.s32 $0x108;
	_ =	swait.ge @!p0 [sflag:s8], $0x0  }
0x24: {  	s3 =	sadd.s32 $0x88, s3;
	s6 =	simm.s32 @!p1 $0x1082;
	[sflag:s4] =	ssyncset.s32 $0xFFFFF086  }
0x25: {  	[simem:s6], [sflag:s4] =	dma.local [hbm:s3], $0xF7A  }
0x26: {  	[smem:$0x3F9F] =	sst s1;
	(tag) =	ssettag s2;
	_ =	strace s9  }
0x27: {  	s1 =	sld [smem:$0x3FAF]  }
0x28: {  	s2 =	sld [smem:$0x3FB0]  }
0x29: {  	s4 =	sld [smem:$0x3FB2]  }
0x2a: {  	p0 =	seq.s32 s5, $0x0;
	s5 =	sld [smem:$0x3FB3]  }
0x2b: {  	s6 =	sld [smem:$0x3FB4]  }
0x2c: {  	s7 =	sld [smem:$0x3FB5]  }
0x2d: {  	s3 =	simm.s32 $0x108;
	s8 =	sld [smem:$0x3FB6]  }
0x2e: {  	s3 =	simm.s32 @!p0 $0x1082;
	s9 =	sld [smem:$0x3FB7]  }
0x2f: {  	lr =	sadd.s32 s0, s3;
	s0 =	sld [smem:$0x3FAE]  }
0x30: {  	s3 =	sld [smem:$0x3FB1]  }
0x31: {  	[smem:$0x3FBA] =	sst s10  }
0x32: {  	s10 =	sld [smem:$0x3FB8];
	_ =	sdelay $0x3  }
0x33: {  	p0 =	seq.s32 s10, $0x1;
	s10 =	sld [smem:$0x3FBA];
	_ =	sdelay $0x3  }
0x34: {  	[smem:$0x3FBA] =	sst s10  }
0x35: {  	s10 =	sld [smem:$0x3FB9];
	_ =	sdelay $0x3  }
0x36: {  	p1 =	seq.s32 s10, $0x1;
	s10 =	sld [smem:$0x3FBA];
	_ =	sdelay $0x3  }
0x37: {  	[smem:$0x3FBA] =	sst s10  }
0x38: {  	s10 =	sld [smem:$0x3FBB]  }
0x39: {  	_ = 	snop;
	(pc) =	sbr.ind lr, $3  }
0x3a: {  	_ = 	snop  }
0x3b: {  	_ = 	snop  }
0x3c: {  	p2 =	seq.s32 s10, $0x1;
	s10 =	sld [smem:$0x3FBA]  }
0x3d: {  	_ =	shalt  }
0x3e: {  	_ =	shalt  }
0x3f: {  	_ =	shalt  }
0x40: {  	_ =	shalt  }
0x41: {  	_ =	shalt  }
0x42: {  	_ =	shalt  }
0x43: {  	_ =	shalt  }
0x44: {  	_ =	shalt  }
0x45: {  	_ =	shalt  }
0x46: {  	_ =	shalt  }
0x47: {  	_ =	shalt  }
0x48: {  	_ =	shalt  }
0x49: {  	_ =	shalt  }
0x4a: {  	_ =	shalt  }
0x4b: {  	_ =	shalt  }
0x4c: {  	_ =	shalt  }
0x4d: {  	_ =	shalt  }
0x4e: {  	_ =	shalt  }
0x4f: {  	_ =	shalt  }
0x50: {  	_ =	shalt  }
0x51: {  	_ =	shalt  }
0x52: {  	_ =	shalt  }
0x53: {  	_ =	shalt  }
0x54: {  	_ =	shalt  }
0x55: {  	_ =	shalt  }
0x56: {  	_ =	shalt  }
0x57: {  	_ =	shalt  }
0x58: {  	_ =	shalt  }
0x59: {  	_ =	shalt  }
0x5a: {  	_ =	shalt  }
0x5b: {  	_ =	shalt  }
0x5c: {  	_ =	shalt  }
0x5d: {  	_ =	shalt  }
0x5e: {  	_ =	shalt  }
0x5f: {  	_ =	shalt  }
0x60: {  	_ =	shalt  }
0x61: {  	_ =	shalt  }
0x62: {  	_ =	shalt  }
0x63: {  	_ =	shalt  }
0x64: {  	_ =	shalt  }
0x65: {  	_ =	shalt  }
0x66: {  	_ =	shalt  }
0x67: {  	_ =	shalt  }
0x68: {  	_ =	shalt  }
0x69: {  	_ =	shalt  }
0x6a: {  	_ =	shalt  }
0x6b: {  	_ =	shalt  }
0x6c: {  	_ =	shalt  }
0x6d: {  	_ =	shalt  }
0x6e: {  	_ =	shalt  }
0x6f: {  	_ =	shalt  }
0x70: {  	_ =	shalt  }
0x71: {  	_ =	shalt  }
0x72: {  	_ =	shalt  }
0x73: {  	_ =	shalt  }
0x74: {  	_ =	shalt  }
0x75: {  	_ =	shalt  }
0x76: {  	_ =	shalt  }
0x77: {  	_ =	shalt  }
0x78: {  	_ =	shalt  }
0x79: {  	_ =	shalt  }
0x7a: {  	_ =	shalt  }
0x7b: {  	_ =	shalt  }
0x7c: {  	_ =	shalt  }
0x7d: {  	_ =	shalt  }
0x7e: {  	_ =	shalt  }
0x7f: {  	_ =	shalt  }
0x80: {  	_ =	shalt  }
0x81: {  	_ =	shalt  }
0x82: {  	_ =	shalt  }
0x83: {  	_ =	shalt  }
0x84: {  	_ =	shalt  }
0x85: {  	_ =	shalt  }
0x86: {  	_ =	shalt  }
0x87: {  	_ =	shalt  }
.Lfunc_end0:
.L_simem_size_0:
called_computation_lowered:
.L_overlay_start_0:
0x88: {  	s2 =	sld [smem:$0x3FD9]  }
0x89: {  	s3 =	sld [smem:$0x3FFE];
	_ =	sdelay $0x1  }
0x8a: {  	s1 =	srdreg.scid  }
0x8b: {  	s0 =	sand.u32 $0x1, s1  }
0x8c: {  	s18 =	sshll.u32 s0, $0xA;
	s2 =	sadd.s32 s3, s2  }
0x8d: {  	s2 =	sadd.s32 s2, s18  }
0x8e: {  	[smem:$0x3FC6] =	sst s2  }
0x8f: {  	_ = 	snop  }
0x90: {  	s2 =	sld [smem:$0x3FC9]  }
0x91: {  	s19 =	sld [smem:$0x3FC8]  }
0x92: {  	s4 =	sld [smem:$0x3FD0];
	(tm) =	ssettm $0x1  }
0x93: {  	s5 =	sld [smem:$0x3FFB];
	_ =	sdelay $0x3  }
0x94: {  	_ =	strace s5  }
0x95: {  	s5 =	sld [smem:$0x3FFC];
	_ =	sdelay $0x3  }
0x96: {  	_ =	strace s5  }
0x97: {  	s5 =	sld [smem:$0x3FFD];
	_ =	sdelay $0x3  }
0x98: {  	_ =	strace s5  }
0x99: {  	_ =	strace $0x8FFFFFFF  }
0x9a: {  	s20 =	sld [smem:$0x3FDB];
	_ =	sdelay $0x1  }
0x9b: {  	s6 =	simm.s32 $_scs_section_size  }
0x9c: {  	s7 =	simm.s32 $_size__tile_overlayer_lowered;
	s8 =	simm.s32 $_tile_overlayer_lowered  }
0x9d: {  	s23 =	simm.s32 $0x1BFF;
	s22 =	sshll.u32 s8, $0x1;
	s5 =	sadd.s32 s6, s20  }
0x9e: {  	s9 =	simm.s32 $0x0;
	s21 =	sshll.u32 s7, $0x1;
	s7 =	sadd.s32 s22, s5  }
0x9f: {  	[timem:s9], [sflag:s23] =	dma.local [hbm:s7], s21  }
0xa0: {  	_ =	swait.ge [sflag:s23], s21  }
0xa1: {  	s6 =	ssub.s32 $0x0, s21;
	[sflag:s23] =	ssyncset.done $0x0  }
0xa2: {  	[sflag:s23] =	ssyncadd.s32 s6;
	_ =	sdelay $0x1  }
0xa3: {  	s24 =	simm.s32 $0x1B8B  }
0xa4: {  	_ =	swait.ge [sflag:s24], $0x1  }
0xa5: {  	[sflag:s24] =	ssyncset.done $0x0  }
0xa6: {  	s25 =	simm.s32 $0x1B8E;
	[sflag:s24] =	ssyncadd.s32 $0xFFFFFFFF  }
0xa7: {  	s26 =	simm.s32 $execute0_lowered;
	[smem:$0x3FD2] =	sst s25  }
0xa8: {  	s6 =	sshll.u32 s26, $0x1;
	_ =	strace $0x80000046;
	[dreg:$0x1] =	wrdreg $0xFFFFFFFF  }
0xa9: {  	s28 =	simm.s32 $_size_execute0_lowered;
	s5 =	sadd.s32 s5, s6;
	[dreg:$0x0] =	wrdreg $0x0  }
0xaa: {  	s6 =	sshll.u32 s28, $0x1;
	[dreg:$0x2] =	wrdreg s5  }
0xab: {  	[dreg:$0x3] =	wrdreg s6  }
0xac: {  	[dreg:$0x4] =	wrdreg $0xC0  }
0xad: {  	_ =	task [dreg:s9], $0x5FFFF  }
0xae: {  	[dreg:$0x1] =	wrdreg $0xFFFFFFFF  }
0xaf: {  	[dreg:$0x0] =	wrdreg $0x60  }
0xb0: {  	[dreg:$0x2] =	wrdreg s2  }
0xb1: {  	[dreg:$0x3] =	wrdreg s19  }
0xb2: {  	[dreg:$0x4] =	wrdreg s4  }
0xb3: {  	[dreg:$0x5] =	wrdreg $0x9  }
0xb4: {  	_ =	task.clear_ibuf [dreg:s9], $0x6FFFF;
	_ =	strace $0x90000046  }
0xb5: {  	s29 =	simm.s32 $0x9;
	_ =	strace $0x80000048  }
0xb6: {  	_ =	swait.ge [sflag:s29], $0x1  }
0xb7: {  	[sflag:s29] =	ssyncadd.s32 $0xFFFFFFFF  }
0xb8: {  	_ =	strace $0x90000048  }
0xb9: {  	_ =	sfence  }
0xba: {  	s30 =	sld [smem:$0x0];
	_ =	sdelay $0x2  }
0xbb: {  	s31 =	sshll.u32 s1, $0xD;
	s1 =	sshrl.u32 s1, $0x2  }
0xbc: {  	s3 =	sand.u32 $0x4000, s31;
	s1 =	sadd.s32 s1, s30  }
0xbd: {  	s0 =	sor.u32 s3, s0;
	s1 =	sshll.u32 s1, $0x11  }
0xbe: {  	s0 =	sor.u32 s1, s0  }
0xbf: {  	s0 =	sadd.s32 $0x8F2B, s0  }
0xc0: {  	[sflag:s0] =	ssyncadd.remote.s32 $0x1  }
0xc1: {  	_ =	sfence.sel $0xFFFF  }
0xc2: {  	[dreg:$0x0] =	wrdreg $0xFFFFFFFF;
	(pc) =	sbr.abs _section_cstart, $3  }
0xc3: {  	[dreg:$0x1] =	wrdreg $0xFFFFFFFF  }
0xc4: {  	_ =	task.clear_ibuf [dreg:s9], $0x2FFFF;
	_ =	strace $0x9FFFFFFF  }
0xc5: {  	(tm) =	ssettm $0x7FFFFFFF  }
tec
execute0_lowered:
.L_overlay_start_1:
0x0: {  	(tag) =	ssettag $0x1  }
0x1: {  	vm14 =	vcmask $0x300;
	v0 =	vimm.s32 $0x2380  }
0x2: {  	vm13 =	vcmask $0x704;
	vm12 =	vcmask $0xB08;
	vm11 =	vcmask $0xF0C  }
0x3: {  	vm10 =	vcmask $0x1310;
	vm9 =	vcmask $0x1714;
	vm8 =	vcmask $0x1B18  }
0x4: {  	vm7 =	vcmask $0x1F1C;
	v1 =	vimm.s32 $0x6380;
	v2 =	vimm.s32 $0x1380  }
0x5: {  	vm0 =	vcmask $0x2320;
	vm1 =	vcmask $0x2724;
	vm2 =	vcmask $0x2B28  }
0x6: {  	vm3 =	vcmask $0x2F2C;
	vm4 =	vcmask $0x3330;
	vm5 =	vcmask $0x3734  }
0x7: {  	vm6 =	vcmask $0x3B38;
	v9 =	vimm.s32 $0x3380;
	v3 =	vimm.s32 $0x2780  }
0x8: {  	v5 =	vimm.s32 $0x6780;
	v7 =	vimm.s32 $0x6B80;
	v8 =	vimm.s32 $0x2F80  }
0x9: {  	v10 =	vimm.s32 $0x6F80;
	v11 =	vimm.s32 $0x7380;
	v13 =	vimm.s32 $0x7780  }
0xa: {  	v14 =	vimm.s32 $0x3B80;
	v15 =	vimm.s32 $0x7B80;
	v16 =	vimm.s32 $0x3F80  }
0xb: {  	v17 =	vimm.s32 $0x7F80;
	v0 =	vsel vm14, $0x0, v0;
	v1 =	vsel vm14, $0x4000, v1  }
0xc: {  	v2 =	vsel vm14, $0x0, v2;
	v4 =	vsel vm14, $0x2000, v9;
	v3 =	vsel vm14, $0x400, v3  }
0xd: {  	v5 =	vsel vm14, $0x4400, v5;
	v7 =	vsel vm14, $0x4800, v7;
	v8 =	vsel vm14, $0xC00, v8  }
0xe: {  	v10 =	vsel vm14, $0x4C00, v10;
	v9 =	vsel vm14, $0x1000, v9;
	v11 =	vsel vm14, $0x5000, v11  }
0xf: {  	v13 =	vsel vm14, $0x5400, v13;
	v14 =	vsel vm14, $0x1800, v14;
	v15 =	vsel vm14, $0x5800, v15  }
0x10: {  	v16 =	vsel vm14, $0x1C00, v16;
	v17 =	vsel vm14, $0x5C00, v17;
	v0 =	vsel vm13, $0x80, v0  }
0x11: {  	v1 =	vsel vm13, $0x4080, v1;
	v2 =	vsel vm13, $0x80, v2;
	v4 =	vsel vm13, $0x2080, v4  }
0x12: {  	v3 =	vsel vm13, $0x480, v3;
	v5 =	vsel vm13, $0x4480, v5;
	v7 =	vsel vm13, $0x4880, v7  }
0x13: {  	v8 =	vsel vm13, $0xC80, v8;
	v10 =	vsel vm13, $0x4C80, v10;
	v9 =	vsel vm13, $0x1080, v9  }
0x14: {  	v11 =	vsel vm13, $0x5080, v11;
	v13 =	vsel vm13, $0x5480, v13;
	v14 =	vsel vm13, $0x1880, v14  }
0x15: {  	v15 =	vsel vm13, $0x5880, v15;
	v16 =	vsel vm13, $0x1C80, v16;
	v17 =	vsel vm13, $0x5C80, v17  }
0x16: {  	v0 =	vsel vm12, $0x100, v0;
	v1 =	vsel vm12, $0x4100, v1;
	v2 =	vsel vm12, $0x100, v2  }
0x17: {  	v4 =	vsel vm12, $0x2100, v4;
	v3 =	vsel vm12, $0x500, v3;
	v5 =	vsel vm12, $0x4500, v5  }
0x18: {  	v7 =	vsel vm12, $0x4900, v7;
	v8 =	vsel vm12, $0xD00, v8;
	v10 =	vsel vm12, $0x4D00, v10  }
0x19: {  	v9 =	vsel vm12, $0x1100, v9;
	v11 =	vsel vm12, $0x5100, v11;
	v13 =	vsel vm12, $0x5500, v13  }
0x1a: {  	v14 =	vsel vm12, $0x1900, v14;
	v15 =	vsel vm12, $0x5900, v15;
	v16 =	vsel vm12, $0x1D00, v16  }
0x1b: {  	v17 =	vsel vm12, $0x5D00, v17;
	v0 =	vsel vm11, $0x180, v0;
	v1 =	vsel vm11, $0x4180, v1  }
0x1c: {  	v2 =	vsel vm11, $0x180, v2;
	v4 =	vsel vm11, $0x2180, v4;
	v3 =	vsel vm11, $0x580, v3  }
0x1d: {  	v5 =	vsel vm11, $0x4580, v5;
	v7 =	vsel vm11, $0x4980, v7;
	v8 =	vsel vm11, $0xD80, v8  }
0x1e: {  	v10 =	vsel vm11, $0x4D80, v10;
	v9 =	vsel vm11, $0x1180, v9;
	v11 =	vsel vm11, $0x5180, v11  }
0x1f: {  	v13 =	vsel vm11, $0x5580, v13;
	v14 =	vsel vm11, $0x1980, v14;
	v15 =	vsel vm11, $0x5980, v15  }
0x20: {  	v16 =	vsel vm11, $0x1D80, v16;
	v17 =	vsel vm11, $0x5D80, v17;
	v0 =	vsel vm10, $0x200, v0  }
0x21: {  	v1 =	vsel vm10, $0x4200, v1;
	v2 =	vsel vm10, $0x200, v2;
	v4 =	vsel vm10, $0x2200, v4  }
0x22: {  	v3 =	vsel vm10, $0x600, v3;
	v5 =	vsel vm10, $0x4600, v5;
	v7 =	vsel vm10, $0x4A00, v7  }
0x23: {  	v8 =	vsel vm10, $0xE00, v8;
	v10 =	vsel vm10, $0x4E00, v10;
	v9 =	vsel vm10, $0x1200, v9  }
0x24: {  	v11 =	vsel vm10, $0x5200, v11;
	v13 =	vsel vm10, $0x5600, v13;
	v14 =	vsel vm10, $0x1A00, v14  }
0x25: {  	v15 =	vsel vm10, $0x5A00, v15;
	v16 =	vsel vm10, $0x1E00, v16;
	v17 =	vsel vm10, $0x5E00, v17  }
0x26: {  	v0 =	vsel vm9, $0x280, v0;
	v1 =	vsel vm9, $0x4280, v1;
	v2 =	vsel vm9, $0x280, v2  }
0x27: {  	v4 =	vsel vm9, $0x2280, v4;
	v3 =	vsel vm9, $0x680, v3;
	v5 =	vsel vm9, $0x4680, v5  }
0x28: {  	v7 =	vsel vm9, $0x4A80, v7;
	v8 =	vsel vm9, $0xE80, v8;
	v10 =	vsel vm9, $0x4E80, v10  }
0x29: {  	v9 =	vsel vm9, $0x1280, v9;
	v11 =	vsel vm9, $0x5280, v11;
	v13 =	vsel vm9, $0x5680, v13  }
0x2a: {  	v14 =	vsel vm9, $0x1A80, v14;
	v15 =	vsel vm9, $0x5A80, v15;
	v16 =	vsel vm9, $0x1E80, v16  }
0x2b: {  	v17 =	vsel vm9, $0x5E80, v17;
	v0 =	vsel vm8, $0x300, v0;
	v1 =	vsel vm8, $0x4300, v1  }
0x2c: {  	v2 =	vsel vm8, $0x300, v2;
	v4 =	vsel vm8, $0x2300, v4;
	v3 =	vsel vm8, $0x700, v3  }
0x2d: {  	v5 =	vsel vm8, $0x4700, v5;
	v7 =	vsel vm8, $0x4B00, v7;
	v8 =	vsel vm8, $0xF00, v8  }
0x2e: {  	v10 =	vsel vm8, $0x4F00, v10;
	v9 =	vsel vm8, $0x1300, v9;
	v11 =	vsel vm8, $0x5300, v11  }
0x2f: {  	v13 =	vsel vm8, $0x5700, v13;
	v14 =	vsel vm8, $0x1B00, v14;
	v15 =	vsel vm8, $0x5B00, v15  }
0x30: {  	v16 =	vsel vm8, $0x1F00, v16;
	v17 =	vsel vm8, $0x5F00, v17;
	v0 =	vsel vm7, $0x380, v0  }
0x31: {  	v1 =	vsel vm7, $0x4380, v1;
	v2 =	vsel vm7, $0x380, v2;
	v4 =	vsel vm7, $0x2380, v4  }
0x32: {  	v3 =	vsel vm7, $0x780, v3;
	v5 =	vsel vm7, $0x4780, v5;
	v7 =	vsel vm7, $0x4B80, v7  }
0x33: {  	v8 =	vsel vm7, $0xF80, v8;
	v10 =	vsel vm7, $0x4F80, v10;
	v9 =	vsel vm7, $0x1380, v9  }
0x34: {  	v11 =	vsel vm7, $0x5380, v11;
	v13 =	vsel vm7, $0x5780, v13;
	v14 =	vsel vm7, $0x1B80, v14  }
0x35: {  	v15 =	vsel vm7, $0x5B80, v15;
	v16 =	vsel vm7, $0x1F80, v16;
	v17 =	vsel vm7, $0x5F80, v17  }
0x36: {  	v0 =	vsel vm0, $0x2000, v0;
	v1 =	vsel vm0, $0x6000, v1;
	v2 =	vsel vm0, $0x1000, v2  }
0x37: {  	v4 =	vsel vm0, $0x3000, v4;
	v3 =	vsel vm0, $0x2400, v3;
	v5 =	vsel vm0, $0x6400, v5  }
0x38: {  	v7 =	vsel vm0, $0x6800, v7;
	v8 =	vsel vm0, $0x2C00, v8;
	v10 =	vsel vm0, $0x6C00, v10  }
0x39: {  	v9 =	vsel vm0, $0x3000, v9;
	v11 =	vsel vm0, $0x7000, v11;
	v13 =	vsel vm0, $0x7400, v13  }
0x3a: {  	v14 =	vsel vm0, $0x3800, v14;
	v15 =	vsel vm0, $0x7800, v15;
	v16 =	vsel vm0, $0x3C00, v16  }
0x3b: {  	v17 =	vsel vm0, $0x7C00, v17;
	v0 =	vsel vm1, $0x2080, v0;
	v1 =	vsel vm1, $0x6080, v1  }
0x3c: {  	v2 =	vsel vm1, $0x1080, v2;
	v4 =	vsel vm1, $0x3080, v4;
	v3 =	vsel vm1, $0x2480, v3  }
0x3d: {  	v5 =	vsel vm1, $0x6480, v5;
	v7 =	vsel vm1, $0x6880, v7;
	v8 =	vsel vm1, $0x2C80, v8  }
0x3e: {  	v10 =	vsel vm1, $0x6C80, v10;
	v9 =	vsel vm1, $0x3080, v9;
	v11 =	vsel vm1, $0x7080, v11  }
0x3f: {  	v13 =	vsel vm1, $0x7480, v13;
	v14 =	vsel vm1, $0x3880, v14;
	v15 =	vsel vm1, $0x7880, v15  }
0x40: {  	v16 =	vsel vm1, $0x3C80, v16;
	v17 =	vsel vm1, $0x7C80, v17;
	v0 =	vsel vm2, $0x2100, v0  }
0x41: {  	v1 =	vsel vm2, $0x6100, v1;
	v2 =	vsel vm2, $0x1100, v2;
	v4 =	vsel vm2, $0x3100, v4  }
0x42: {  	v3 =	vsel vm2, $0x2500, v3;
	v5 =	vsel vm2, $0x6500, v5;
	v7 =	vsel vm2, $0x6900, v7  }
0x43: {  	v8 =	vsel vm2, $0x2D00, v8;
	v10 =	vsel vm2, $0x6D00, v10;
	v9 =	vsel vm2, $0x3100, v9  }
0x44: {  	v11 =	vsel vm2, $0x7100, v11;
	v13 =	vsel vm2, $0x7500, v13;
	v14 =	vsel vm2, $0x3900, v14  }
0x45: {  	v15 =	vsel vm2, $0x7900, v15;
	v16 =	vsel vm2, $0x3D00, v16;
	v17 =	vsel vm2, $0x7D00, v17  }
0x46: {  	v0 =	vsel vm3, $0x2180, v0;
	v1 =	vsel vm3, $0x6180, v1;
	v2 =	vsel vm3, $0x1180, v2  }
0x47: {  	v4 =	vsel vm3, $0x3180, v4;
	v3 =	vsel vm3, $0x2580, v3;
	v5 =	vsel vm3, $0x6580, v5  }
0x48: {  	v7 =	vsel vm3, $0x6980, v7;
	v8 =	vsel vm3, $0x2D80, v8;
	v10 =	vsel vm3, $0x6D80, v10  }
0x49: {  	v9 =	vsel vm3, $0x3180, v9;
	v11 =	vsel vm3, $0x7180, v11;
	v13 =	vsel vm3, $0x7580, v13  }
0x4a: {  	v14 =	vsel vm3, $0x3980, v14;
	v15 =	vsel vm3, $0x7980, v15;
	v16 =	vsel vm3, $0x3D80, v16  }
0x4b: {  	v17 =	vsel vm3, $0x7D80, v17;
	v0 =	vsel vm4, $0x2200, v0;
	v1 =	vsel vm4, $0x6200, v1  }
0x4c: {  	v2 =	vsel vm4, $0x1200, v2;
	v4 =	vsel vm4, $0x3200, v4;
	v3 =	vsel vm4, $0x2600, v3  }
0x4d: {  	v5 =	vsel vm4, $0x6600, v5;
	v7 =	vsel vm4, $0x6A00, v7;
	v8 =	vsel vm4, $0x2E00, v8  }
0x4e: {  	v10 =	vsel vm4, $0x6E00, v10;
	v9 =	vsel vm4, $0x3200, v9;
	v11 =	vsel vm4, $0x7200, v11  }
0x4f: {  	v13 =	vsel vm4, $0x7600, v13;
	v14 =	vsel vm4, $0x3A00, v14;
	v15 =	vsel vm4, $0x7A00, v15  }
0x50: {  	v16 =	vsel vm4, $0x3E00, v16;
	v17 =	vsel vm4, $0x7E00, v17;
	v0 =	vsel vm5, $0x2280, v0  }
0x51: {  	v1 =	vsel vm5, $0x6280, v1;
	v2 =	vsel vm5, $0x1280, v2;
	v4 =	vsel vm5, $0x3280, v4  }
0x52: {  	v6 =	vsel vm5, $0x2680, v3;
	v5 =	vsel vm5, $0x6680, v5;
	v7 =	vsel vm5, $0x6A80, v7  }
0x53: {  	v8 =	vsel vm5, $0x2E80, v8;
	v10 =	vsel vm5, $0x6E80, v10;
	v12 =	vsel vm5, $0x3280, v9  }
0x54: {  	s0 =	rddreg [dreg:$0x0];
	v11 =	vsel vm5, $0x7280, v11;
	v13 =	vsel vm5, $0x7680, v13;
	v14 =	vsel vm5, $0x3A80, v14  }
0x55: {  	s1 =	rddreg [dreg:$0x1];
	v3 =	vsel vm6, $0x3300, v4;
	v4 =	vsel vm6, $0x2700, v6;
	v6 =	vimm.s32 $0x2B80  }
0x56: {  	s2 =	rddreg [dreg:$0x2];
	v9 =	vsel vm6, $0x6F00, v10;
	v10 =	vsel vm6, $0x3300, v12;
	v12 =	vimm.s32 $0x3780  }
0x57: {  	s4 =	srdreg.scid;
	s3 =	simm.s32 $0x0;
	s6 =	stileid.u32;
	v15 =	vsel vm5, $0x7A80, v15;
	v6 =	vsel vm14, $0x800, v6;
	v12 =	vsel vm14, $0x1400, v12  }
0x58: {  	s8 =	simm.s32 $0x200;
	s12 =	simm.s32 $0x8200;
	s24 =	simm.s32 $0xA200;
	v16 =	vsel vm5, $0x3E80, v16;
	v6 =	vsel vm13, $0x880, v6;
	v12 =	vsel vm13, $0x1480, v12  }
0x59: {  	s28 =	simm.s32 $0xEE00;
	s29 =	simm.s32 $0x9200;
	s30 =	simm.s32 $0xB200;
	v17 =	vsel vm5, $0x7E80, v17;
	v6 =	vsel vm12, $0x900, v6;
	v12 =	vsel vm12, $0x1500, v12  }
0x5a: {  	s31 =	simm.s32 $0xD200;
	s9 =	simm.s32 $0xBA00;
	s10 =	simm.s32 $0xDA00;
	v0 =	vsel vm6, $0x2300, v0;
	v6 =	vsel vm11, $0x980, v6;
	v12 =	vsel vm11, $0x1580, v12  }
0x5b: {  	s11 =	simm.s32 $0xFA00;
	s13 =	simm.s32 $0x9E00;
	s14 =	simm.s32 $0xBE00;
	v1 =	vsel vm6, $0x6300, v1;
	v6 =	vsel vm10, $0xA00, v6;
	v12 =	vsel vm10, $0x1600, v12  }
0x5c: {  	s15 =	simm.s32 $0xDE00;
	s16 =	simm.s32 $0xFE00;
	s17 =	simm.s32 $0x2;
	v2 =	vsel vm6, $0x1300, v2;
	v6 =	vsel vm9, $0xA80, v6;
	v12 =	vsel vm9, $0x1680, v12  }
0x5d: {  	s18 =	simm.s32 $0x10200;
	s19 =	simm.s32 $0x3;
	s4 =	sand.u32 $0x1, s4;
	v5 =	vsel vm6, $0x6700, v5;
	v6 =	vsel vm8, $0xB00, v6;
	v12 =	vsel vm8, $0x1700, v12  }
0x5e: {  	s22 =	simm.s32 $0x0;
	s6 =	sshll.u32 s6, $0xA;
	s5 =	ssub.s32 $0x2, s4;
	v7 =	vsel vm6, $0x6B00, v7;
	v6 =	vsel vm7, $0xB80, v6;
	v12 =	vsel vm7, $0x1780, v12  }
0x5f: {  	[smem:$0x7FF] =	sst s3;
	s4 =	sshll.u32 s4, $0x9;
	s7 =	sshrl.u32 s5, $0x1;
	v8 =	vsel vm6, $0x2F00, v8;
	v6 =	vsel vm0, $0x2800, v6;
	v12 =	vsel vm0, $0x3400, v12  }
0x60: {  	_ =	strace $0x80000047;
	s4 =	sor.u32 s4, s6;
	s5 =	ssub.s32 s5, s7;
	v11 =	vsel vm6, $0x7300, v11;
	v6 =	vsel vm1, $0x2880, v6;
	v12 =	vsel vm1, $0x3480, v12  }
.Ltmp0:
0x61: {  	s6 =	sshrl.u32 s4, $0x3;
	s25 =	sadd.s32 s2, s4;
	v13 =	vsel vm6, $0x7700, v13;
	v6 =	vsel vm2, $0x2900, v6;
	v12 =	vsel vm2, $0x3500, v12;
	(pc) =	sbr.rel .LBB2_1-.Ltmp0, $4  }
0x62: {  	s2 =	simm.s32 $0x9600;
	s4 =	simm.s32 $0xB600;
	s7 =	simm.s32 $0x9A00;
	v14 =	vsel vm6, $0x3B00, v14;
	v6 =	vsel vm3, $0x2980, v6;
	v12 =	vsel vm3, $0x3580, v12  }
0x63: {  	s1 =	sadd.s32 s1, s6;
	[dreg:$0x5] =	wrdreg s25;
	s26 =	smax.u32 s5, $0x1;
	v15 =	vsel vm6, $0x7B00, v15;
	v6 =	vsel vm4, $0x2A00, v6;
	v12 =	vsel vm4, $0x3600, v12  }
0x64: {  	s5 =	simm.s32 $0xD600;
	s6 =	simm.s32 $0xF600;
	[dreg:$0x4] =	wrdreg s1;
	v16 =	vsel vm6, $0x3F00, v16;
	v6 =	vsel vm5, $0x2A80, v6;
	v12 =	vsel vm5, $0x3680, v12  }
0x65: {  	[dreg:$0x6] =	wrdreg s26;
	s26 =	simm.s32 $0xCE00;
	s1 =	simm.s32 $0xF200;
	v17 =	vsel vm6, $0x7F00, v17;
	v6 =	vsel vm6, $0x2B00, v6;
	v12 =	vsel vm6, $0x3700, v12  }
.LBB2_5:
0x66: {  	s20 =	rddreg [dreg:$0x5];
	s21 =	simm.s32 $0x1000;
	s22 =	simm.s32 $0x20000  }
0x67: {  	[hbm4b:s20+s21] =	stream.strided.scatter [tilespmem:s18], [sflag:$0x4], $0x4000, s22, s21, $0x38;
	[tilespmem:$0x14200] =	vst v63  }
0x68: {  	s21 =	simm.s32 $0x4  }
0x69: {  	_ =	swait.ge [sflag:s21], $0x4000  }
0x6a: {  	s23 =	rddreg [dreg:$0x7]  }
0x6b: {  	s25 =	rddreg [dreg:$0x6];
	s22 =	sadd.s32 $0x1, s23  }
0x6c: {  	p0 =	sne.s32 s22, s25  }
.Ltmp1:
0x6d: {  	_ = 	snop;
	(pc) =	sbr.rel @!p0 .LBB2_6-.Ltmp1, $3  }
0x6e: {  	_ =	sdelay $0x1  }
0x6f: {  	[sflag:s21] =	ssyncset.done $0x0  }
0x70: {  	[sflag:s21] =	ssyncadd.s32 $0xFFFFC000  }
.LBB2_1:
0x71: {  	[dreg:$0x7] =	wrdreg s22  }
0x72: {  	s20 =	rddreg [dreg:$0x4];
	s22 =	simm.s32 $0x1  }
0x73: {  	[tilespmem:s3], [sflag:$0x1] =	stream.linear.gather [hbm4b:s20+s3], $0x200, $0x38;
	[tilespmem:$0x14200] =	vst v63  }
0x74: {  	_ =	swait.ge [sflag:s22], $0x200  }
0x75: {  	[sflag:s22] =	ssyncset.done $0x0  }
0x76: {  	[sflag:s22] =	ssyncadd.s32 $0xFFFFFE00  }
0x77: {  	v18 =	vld [tilespmem:$0x0];
	_ =	sdelay $0x4  }
0x78: {  	(v2sf) =	vpush v18, $0x0;
	_ =	sdelay $0x7  }
0x79: {  	(v2sf) =	vpush v18, $0x1;
	_ =	sdelay $0x6  }
0x7a: {  	s23 =	spop (v2sf)  }
0x7b: {  	s20 =	sand.u32 $0xFFFFF80, s23  }
0x7c: {  	(v2sf) =	vpush v18, $0x2;
	s20 =	sadd.s32 s0, s20  }
0x7d: {  	[tilespmem:s8], [sflag:$0x2] =	stream.linear.gather [hbm4b:s20+s3], $0x400, $0x38;
	[tilespmem:$0x14200] =	vst v63  }
0x7e: {  	s25 =	simm.s32 $0x2200;
	s21 =	sadd.s32 $0xF4280, s20  }
0x7f: {  	[tilespmem:s25], [sflag:$0x2] =	stream.linear.gather [hbm4b:s21+s3], $0x400, $0x38;
	[tilespmem:$0x14200] =	vst v63  }
0x80: {  	s23 =	simm.s32 $0x4200;
	s22 =	sadd.s32 $0x1E8500, s20  }
0x81: {  	[tilespmem:s23], [sflag:$0x2] =	stream.linear.gather [hbm4b:s22+s3], $0x400, $0x38;
	[tilespmem:$0x14200] =	vst v63  }
0x82: {  	s20 =	sadd.s32 $0x2DC780, s20;
	s25 =	simm.s32 $0x6200;
	s21 =	spop (v2sf)  }
0x83: {  	[tilespmem:s25], [sflag:$0x2] =	stream.linear.gather [hbm4b:s20+s3], $0x400, $0x38;
	[tilespmem:$0x14200] =	vst v63  }
0x84: {  	s20 =	sand.u32 $0xFFFFF80, s21  }
0x85: {  	(v2sf) =	vpush v18, $0x3;
	s22 =	simm.s32 $0x600;
	s20 =	sadd.s32 s0, s20  }
0x86: {  	[tilespmem:s22], [sflag:$0x2] =	stream.linear.gather [hbm4b:s20+s3], $0x400, $0x38;
	[tilespmem:$0x14200] =	vst v63  }
0x87: {  	s25 =	simm.s32 $0x2600;
	s23 =	sadd.s32 $0xF4280, s20  }
0x88: {  	[tilespmem:s25], [sflag:$0x2] =	stream.linear.gather [hbm4b:s23+s3], $0x400, $0x38;
	[tilespmem:$0x14200] =	vst v63  }
0x89: {  	s22 =	sadd.s32 $0x1E8500, s20;
	s23 =	simm.s32 $0x4600  }
0x8a: {  	[tilespmem:s23], [sflag:$0x2] =	stream.linear.gather [hbm4b:s22+s3], $0x400, $0x38;
	[tilespmem:$0x14200] =	vst v63  }
0x8b: {  	s20 =	sadd.s32 $0x2DC780, s20;
	s25 =	simm.s32 $0x6600;
	s21 =	spop (v2sf)  }
0x8c: {  	[tilespmem:s25], [sflag:$0x2] =	stream.linear.gather [hbm4b:s20+s3], $0x400, $0x38;
	[tilespmem:$0x14200] =	vst v63  }
0x8d: {  	s20 =	sand.u32 $0xFFFFF80, s21  }
0x8e: {  	s22 =	simm.s32 $0xA00;
	(v2sf) =	vpush v18, $0x4;
	s20 =	sadd.s32 s0, s20  }
0x8f: {  	[tilespmem:s22], [sflag:$0x2] =	stream.linear.gather [hbm4b:s20+s3], $0x400, $0x38;
	[tilespmem:$0x14200] =	vst v63  }
0x90: {  	s25 =	simm.s32 $0x2A00;
	s23 =	sadd.s32 $0xF4280, s20  }
0x91: {  	[tilespmem:s25], [sflag:$0x2] =	stream.linear.gather [hbm4b:s23+s3], $0x400, $0x38;
	[tilespmem:$0x14200] =	vst v63  }
0x92: {  	s22 =	sadd.s32 $0x1E8500, s20;
	s23 =	simm.s32 $0x4A00  }
0x93: {  	[tilespmem:s23], [sflag:$0x2] =	stream.linear.gather [hbm4b:s22+s3], $0x400, $0x38;
	[tilespmem:$0x14200] =	vst v63  }
0x94: {  	s20 =	sadd.s32 $0x2DC780, s20;
	s21 =	spop (v2sf);
	s25 =	simm.s32 $0x6A00  }
0x95: {  	[tilespmem:s25], [sflag:$0x2] =	stream.linear.gather [hbm4b:s20+s3], $0x400, $0x38;
	[tilespmem:$0x14200] =	vst v63  }
0x96: {  	s20 =	sand.u32 $0xFFFFF80, s21  }
0x97: {  	(v2sf) =	vpush v18, $0x5;
	s22 =	simm.s32 $0xE00;
	s20 =	sadd.s32 s0, s20  }
0x98: {  	[tilespmem:s22], [sflag:$0x2] =	stream.linear.gather [hbm4b:s20+s3], $0x400, $0x38;
	[tilespmem:$0x14200] =	vst v63  }
0x99: {  	s25 =	simm.s32 $0x2E00;
	s23 =	sadd.s32 $0xF4280, s20  }
0x9a: {  	[tilespmem:s25], [sflag:$0x2] =	stream.linear.gather [hbm4b:s23+s3], $0x400, $0x38;
	[tilespmem:$0x14200] =	vst v63  }
0x9b: {  	s22 =	sadd.s32 $0x1E8500, s20;
	s23 =	simm.s32 $0x4E00  }
0x9c: {  	[tilespmem:s23], [sflag:$0x2] =	stream.linear.gather [hbm4b:s22+s3], $0x400, $0x38;
	[tilespmem:$0x14200] =	vst v63  }
0x9d: {  	s20 =	sadd.s32 $0x2DC780, s20;
	s25 =	simm.s32 $0x6E00;
	s21 =	spop (v2sf)  }
0x9e: {  	[tilespmem:s25], [sflag:$0x2] =	stream.linear.gather [hbm4b:s20+s3], $0x400, $0x38;
	[tilespmem:$0x14200] =	vst v63  }
0x9f: {  	s20 =	sand.u32 $0xFFFFF80, s21  }
0xa0: {  	(v2sf) =	vpush v18, $0x6;
	s22 =	simm.s32 $0x1200;
	s20 =	sadd.s32 s0, s20  }
0xa1: {  	[tilespmem:s22], [sflag:$0x2] =	stream.linear.gather [hbm4b:s20+s3], $0x400, $0x38;
	[tilespmem:$0x14200] =	vst v63  }
0xa2: {  	s25 =	simm.s32 $0x3200;
	s23 =	sadd.s32 $0xF4280, s20  }
0xa3: {  	[tilespmem:s25], [sflag:$0x2] =	stream.linear.gather [hbm4b:s23+s3], $0x400, $0x38;
	[tilespmem:$0x14200] =	vst v63  }
0xa4: {  	s22 =	sadd.s32 $0x1E8500, s20;
	s23 =	simm.s32 $0x5200  }
0xa5: {  	[tilespmem:s23], [sflag:$0x2] =	stream.linear.gather [hbm4b:s22+s3], $0x400, $0x38;
	[tilespmem:$0x14200] =	vst v63  }
0xa6: {  	s20 =	sadd.s32 $0x2DC780, s20;
	s21 =	spop (v2sf);
	s25 =	simm.s32 $0x7200  }
0xa7: {  	[tilespmem:s25], [sflag:$0x2] =	stream.linear.gather [hbm4b:s20+s3], $0x400, $0x38;
	[tilespmem:$0x14200] =	vst v63  }
0xa8: {  	s20 =	sand.u32 $0xFFFFF80, s21  }
0xa9: {  	(v2sf) =	vpush v18, $0x7;
	s22 =	simm.s32 $0x1600;
	s20 =	sadd.s32 s0, s20  }
0xaa: {  	[tilespmem:s22], [sflag:$0x2] =	stream.linear.gather [hbm4b:s20+s3], $0x400, $0x38;
	[tilespmem:$0x14200] =	vst v63  }
0xab: {  	s25 =	simm.s32 $0x3600;
	s23 =	sadd.s32 $0xF4280, s20  }
0xac: {  	[tilespmem:s25], [sflag:$0x2] =	stream.linear.gather [hbm4b:s23+s3], $0x400, $0x38;
	[tilespmem:$0x14200] =	vst v63  }
0xad: {  	s23 =	sadd.s32 $0x1E8500, s20;
	s25 =	simm.s32 $0x5600  }
0xae: {  	[tilespmem:s25], [sflag:$0x2] =	stream.linear.gather [hbm4b:s23+s3], $0x400, $0x38;
	[tilespmem:$0x14200] =	vst v63  }
0xaf: {  	s20 =	sadd.s32 $0x2DC780, s20;
	s23 =	spop (v2sf)  }
0xb0: {  	s25 =	simm.s32 $0x7600;
	s21 =	sand.u32 $0xFFFFF80, s23  }
0xb1: {  	[tilespmem:s25], [sflag:$0x2] =	stream.linear.gather [hbm4b:s20+s3], $0x400, $0x38;
	[tilespmem:$0x14200] =	vst v63  }
0xb2: {  	s22 =	simm.s32 $0x1A00;
	s20 =	sadd.s32 s0, s21  }
0xb3: {  	[tilespmem:s22], [sflag:$0x2] =	stream.linear.gather [hbm4b:s20+s3], $0x400, $0x38;
	[tilespmem:$0x14200] =	vst v63  }
0xb4: {  	s25 =	simm.s32 $0x3A00;
	s23 =	sadd.s32 $0xF4280, s20  }
0xb5: {  	[tilespmem:s25], [sflag:$0x2] =	stream.linear.gather [hbm4b:s23+s3], $0x400, $0x38;
	[tilespmem:$0x14200] =	vst v63  }
0xb6: {  	s22 =	sadd.s32 $0x1E8500, s20;
	s23 =	simm.s32 $0x5A00  }
0xb7: {  	[tilespmem:s23], [sflag:$0x2] =	stream.linear.gather [hbm4b:s22+s3], $0x400, $0x38;
	[tilespmem:$0x14200] =	vst v63  }
0xb8: {  	s21 =	spop (v2sf);
	s20 =	sadd.s32 $0x2DC780, s20;
	s25 =	simm.s32 $0x7A00  }
0xb9: {  	[tilespmem:s25], [sflag:$0x2] =	stream.linear.gather [hbm4b:s20+s3], $0x400, $0x38;
	[tilespmem:$0x14200] =	vst v63  }
0xba: {  	s20 =	sand.u32 $0xFFFFF80, s21  }
0xbb: {  	s22 =	simm.s32 $0x1E00;
	s20 =	sadd.s32 s0, s20  }
0xbc: {  	[tilespmem:s22], [sflag:$0x2] =	stream.linear.gather [hbm4b:s20+s3], $0x400, $0x38;
	[tilespmem:$0x14200] =	vst v63  }
0xbd: {  	s25 =	simm.s32 $0x3E00;
	s23 =	sadd.s32 $0xF4280, s20  }
0xbe: {  	[tilespmem:s25], [sflag:$0x2] =	stream.linear.gather [hbm4b:s23+s3], $0x400, $0x38;
	[tilespmem:$0x14200] =	vst v63  }
.Ltmp2:
0xbf: {  	s22 =	sadd.s32 $0x1E8500, s20;
	s23 =	simm.s32 $0x5E00;
	(pc) =	sbr.rel .LBB2_2-.Ltmp2, $4  }
0xc0: {  	[tilespmem:s23], [sflag:$0x2] =	stream.linear.gather [hbm4b:s22+s3], $0x400, $0x38;
	[tilespmem:$0x14200] =	vst v63  }
0xc1: {  	s20 =	sadd.s32 $0x2DC780, s20;
	s25 =	simm.s32 $0x7E00  }
0xc2: {  	[tilespmem:s25], [sflag:$0x2] =	stream.linear.gather [hbm4b:s20+s3], $0x400, $0x38;
	[tilespmem:$0x14200] =	vst v63  }
0xc3: {  	s21 =	simm.s32 $0x0;
	s20 =	simm.s32 $0x10  }
.LBB2_4:
0xc4: {  	v19 =	vbroadcast v18, $0x8;
	_ =	sdelay $0x1  }
0xc5: {  	s22 =	sadd.s32 $0x8, s21;
	v20 =	vor.u32 v0, v19  }
0xc6: {  	v21 =	vmov s22;
	v19 =	vor.u32 v1, v19  }
0xc7: {  	_ =	swait.ge [sflag:s19], $0x8000;
	v22 =	vshll.u32 v21, $0x3  }
0xc8: {  	[sflag:s19] =	ssyncset.done $0x0;
	v21 =	vand.u32 $0x78, v21;
	v22 =	vand.u32 $0xC00, v22  }
0xc9: {  	[sflag:s19] =	ssyncadd.s32 $0xFFFF8000;
	v21 =	vor.u32 v21, v22  }
0xca: {  	v23 =	vbroadcast v18, $0x9;
	v22 =	vor.u32 v2, v21;
	v20 =	vld.idx.msk [tilespmem:v20+s12+$0x0], $0xffff  }
0xcb: {  	v21 =	vor.u32 v3, v21;
	v19 =	vld.idx.msk [tilespmem:v19+s12+$0x0], $0xffff  }
0xcc: {  	s25 =	sadd.s32 $0x9, s21;
	v24 =	vor.u32 v4, v23  }
0xcd: {  	v25 =	vmov s25;
	v23 =	vor.u32 v5, v23  }
0xce: {  	v26 =	vshll.u32 v25, $0x3  }
0xcf: {  	v56 =	vand.u32 $0x79, v25;
	v57 =	vand.u32 $0xC00, v26;
	[tilespmem:v22+s18+$0x0] =	vst.idx.msk $0xffff, v20  }
0xd0: {  	[tilespmem:v21+s18+$0x0] =	vst.idx.msk $0xffff, v19;
	v19 =	vor.u32 v56, v57  }
0xd1: {  	v60 =	vbroadcast v18, $0xA;
	v58 =	vld.idx.msk [tilespmem:v24+s12+$0x0], $0xffff;
	v59 =	vor.u32 v2, v19  }
0xd2: {  	v23 =	vld.idx.msk [tilespmem:v23+s12+$0x0], $0xffff;
	v19 =	vor.u32 v3, v19  }
0xd3: {  	s23 =	sadd.s32 $0xA, s21;
	v61 =	vor.u32 v6, v60  }
0xd4: {  	v62 =	vmov s23;
	v22 =	vor.u32 v7, v60  }
0xd5: {  	v63 =	vshll.u32 v62, $0x3  }
0xd6: {  	v27 =	vand.u32 $0x7A, v62;
	v28 =	vand.u32 $0xC00, v63;
	[tilespmem:v59+s18+$0x0] =	vst.idx.msk $0xffff, v58  }
0xd7: {  	[tilespmem:v19+s18+$0x0] =	vst.idx.msk $0xffff, v23;
	v19 =	vor.u32 v27, v28  }
0xd8: {  	v30 =	vbroadcast v18, $0xB;
	v29 =	vld.idx.msk [tilespmem:v61+s12+$0x0], $0xffff;
	v21 =	vor.u32 v2, v19  }
0xd9: {  	v22 =	vld.idx.msk [tilespmem:v22+s12+$0x0], $0xffff;
	v19 =	vor.u32 v3, v19  }
0xda: {  	s25 =	sadd.s32 $0xB, s21;
	v31 =	vor.u32 v8, v30  }
0xdb: {  	v32 =	vmov s25;
	v23 =	vor.u32 v9, v30  }
0xdc: {  	v33 =	vshll.u32 v32, $0x3  }
0xdd: {  	v34 =	vand.u32 $0x7B, v32;
	v35 =	vand.u32 $0xC00, v33;
	[tilespmem:v21+s18+$0x0] =	vst.idx.msk $0xffff, v29  }
0xde: {  	[tilespmem:v19+s18+$0x0] =	vst.idx.msk $0xffff, v22;
	v19 =	vor.u32 v34, v35  }
0xdf: {  	v37 =	vbroadcast v18, $0xC;
	v36 =	vld.idx.msk [tilespmem:v31+s12+$0x0], $0xffff;
	v21 =	vor.u32 v2, v19  }
0xe0: {  	v23 =	vld.idx.msk [tilespmem:v23+s12+$0x0], $0xffff;
	v19 =	vor.u32 v3, v19  }
0xe1: {  	s23 =	sadd.s32 $0xC, s21;
	v38 =	vor.u32 v10, v37  }
0xe2: {  	v39 =	vmov s23;
	v22 =	vor.u32 v11, v37  }
0xe3: {  	v40 =	vshll.u32 v39, $0x3  }
0xe4: {  	v41 =	vand.u32 $0x7C, v39;
	v42 =	vand.u32 $0xC00, v40;
	[tilespmem:v21+s18+$0x0] =	vst.idx.msk $0xffff, v36  }
0xe5: {  	[tilespmem:v19+s18+$0x0] =	vst.idx.msk $0xffff, v23;
	v19 =	vor.u32 v41, v42  }
0xe6: {  	v44 =	vbroadcast v18, $0xD;
	v43 =	vld.idx.msk [tilespmem:v38+s12+$0x0], $0xffff;
	v21 =	vor.u32 v2, v19  }
0xe7: {  	v22 =	vld.idx.msk [tilespmem:v22+s12+$0x0], $0xffff;
	v19 =	vor.u32 v3, v19  }
0xe8: {  	s25 =	sadd.s32 $0xD, s21;
	v45 =	vor.u32 v12, v44  }
0xe9: {  	v46 =	vmov s25;
	v23 =	vor.u32 v13, v44  }
0xea: {  	v47 =	vshll.u32 v46, $0x3  }
0xeb: {  	v48 =	vand.u32 $0x7D, v46;
	v49 =	vand.u32 $0xC00, v47;
	[tilespmem:v21+s18+$0x0] =	vst.idx.msk $0xffff, v43  }
0xec: {  	[tilespmem:v19+s18+$0x0] =	vst.idx.msk $0xffff, v22;
	v19 =	vor.u32 v48, v49  }
0xed: {  	v51 =	vbroadcast v18, $0xE;
	v50 =	vld.idx.msk [tilespmem:v45+s12+$0x0], $0xffff;
	v21 =	vor.u32 v2, v19  }
0xee: {  	v23 =	vld.idx.msk [tilespmem:v23+s12+$0x0], $0xffff;
	v19 =	vor.u32 v3, v19  }
0xef: {  	s23 =	sadd.s32 $0xE, s21;
	v52 =	vor.u32 v14, v51  }
0xf0: {  	v53 =	vmov s23;
	v22 =	vor.u32 v15, v51  }
0xf1: {  	v54 =	vshll.u32 v53, $0x3  }
0xf2: {  	v55 =	vand.u32 $0x7E, v53;
	v56 =	vand.u32 $0xC00, v54;
	[tilespmem:v21+s18+$0x0] =	vst.idx.msk $0xffff, v50  }
0xf3: {  	[tilespmem:v19+s18+$0x0] =	vst.idx.msk $0xffff, v23;
	v19 =	vor.u32 v55, v56  }
0xf4: {  	v18 =	vbroadcast v18, $0xF;
	v57 =	vld.idx.msk [tilespmem:v52+s12+$0x0], $0xffff;
	v21 =	vor.u32 v2, v19  }
0xf5: {  	v22 =	vld.idx.msk [tilespmem:v22+s12+$0x0], $0xffff;
	v19 =	vor.u32 v3, v19  }
0xf6: {  	s25 =	sadd.s32 $0xF, s21;
	v58 =	vor.u32 v16, v18  }
0xf7: {  	v59 =	vmov s25;
	v18 =	vor.u32 v17, v18  }
0xf8: {  	v60 =	vshll.u32 v59, $0x3  }
0xf9: {  	v61 =	vand.u32 $0x7F, v59;
	v62 =	vand.u32 $0xC00, v60;
	[tilespmem:v21+s18+$0x0] =	vst.idx.msk $0xffff, v57  }
0xfa: {  	[tilespmem:v19+s18+$0x0] =	vst.idx.msk $0xffff, v22;
	v19 =	vor.u32 v61, v62  }
0xfb: {  	s21 =	sadd.s32 $0x10, s21;
	v63 =	vld.idx.msk [tilespmem:v58+s12+$0x0], $0xffff;
	v21 =	vor.u32 v2, v19  }
0xfc: {  	p0 =	sne.s32 s21, $0x200;
	v18 =	vld.idx.msk [tilespmem:v18+s12+$0x0], $0xffff;
	v19 =	vor.u32 v3, v19  }
.Ltmp3:
0xfd: {  	_ = 	snop;
	(pc) =	sbr.rel @!p0 .LBB2_5-.Ltmp3, $3  }
0xfe: {  	_ =	sdelay $0x1  }
0xff: {  	[tilespmem:v21+s18+$0x0] =	vst.idx.msk $0xffff, v63  }
0x100: {  	s20 =	sadd.s32 $0x10, s20;
	[tilespmem:v19+s18+$0x0] =	vst.idx.msk $0xffff, v18  }
.LBB2_2:
0x101: {  	v18 =	vld [tilespmem:s20+$0xFFFFFFF0];
	_ =	sdelay $0x4  }
0x102: {  	(v2sf) =	vpush v18, $0x8;
	_ =	sdelay $0x7  }
0x103: {  	(v2sf) =	vpush v18, $0x9;
	_ =	sdelay $0x6  }
0x104: {  	s22 =	spop (v2sf)  }
0x105: {  	s22 =	sand.u32 $0xFFFFF80, s22  }
0x106: {  	(v2sf) =	vpush v18, $0xA;
	s22 =	sadd.s32 s0, s22  }
0x107: {  	[tilespmem:s12], [sflag:$0x3] =	stream.linear.gather [hbm4b:s22+s3], $0x400, $0x38;
	[tilespmem:$0x14200] =	vst v63  }
0x108: {  	s23 =	sadd.s32 $0xF4280, s22  }
0x109: {  	[tilespmem:s24], [sflag:$0x3] =	stream.linear.gather [hbm4b:s23+s3], $0x400, $0x38;
	[tilespmem:$0x14200] =	vst v63  }
0x10a: {  	s25 =	simm.s32 $0xC200;
	s23 =	sadd.s32 $0x1E8500, s22  }
0x10b: {  	[tilespmem:s25], [sflag:$0x3] =	stream.linear.gather [hbm4b:s23+s3], $0x400, $0x38;
	[tilespmem:$0x14200] =	vst v63  }
0x10c: {  	s22 =	sadd.s32 $0x2DC780, s22;
	s25 =	simm.s32 $0xE200;
	s23 =	spop (v2sf)  }
0x10d: {  	[tilespmem:s25], [sflag:$0x3] =	stream.linear.gather [hbm4b:s22+s3], $0x400, $0x38;
	[tilespmem:$0x14200] =	vst v63  }
0x10e: {  	s22 =	sand.u32 $0xFFFFF80, s23  }
0x10f: {  	(v2sf) =	vpush v18, $0xB;
	s25 =	simm.s32 $0x8600;
	s22 =	sadd.s32 s0, s22  }
0x110: {  	[tilespmem:s25], [sflag:$0x3] =	stream.linear.gather [hbm4b:s22+s3], $0x400, $0x38;
	[tilespmem:$0x14200] =	vst v63  }
0x111: {  	s23 =	sadd.s32 $0xF4280, s22;
	s25 =	simm.s32 $0xA600  }
0x112: {  	[tilespmem:s25], [sflag:$0x3] =	stream.linear.gather [hbm4b:s23+s3], $0x400, $0x38;
	[tilespmem:$0x14200] =	vst v63  }
0x113: {  	s23 =	sadd.s32 $0x1E8500, s22;
	s25 =	simm.s32 $0xC600  }
0x114: {  	[tilespmem:s25], [sflag:$0x3] =	stream.linear.gather [hbm4b:s23+s3], $0x400, $0x38;
	[tilespmem:$0x14200] =	vst v63  }
0x115: {  	s22 =	sadd.s32 $0x2DC780, s22;
	s25 =	simm.s32 $0xE600;
	s23 =	spop (v2sf)  }
0x116: {  	[tilespmem:s25], [sflag:$0x3] =	stream.linear.gather [hbm4b:s22+s3], $0x400, $0x38;
	[tilespmem:$0x14200] =	vst v63  }
0x117: {  	s22 =	sand.u32 $0xFFFFF80, s23  }
0x118: {  	(v2sf) =	vpush v18, $0xC;
	s25 =	simm.s32 $0x8A00;
	s22 =	sadd.s32 s0, s22  }
0x119: {  	[tilespmem:s25], [sflag:$0x3] =	stream.linear.gather [hbm4b:s22+s3], $0x400, $0x38;
	[tilespmem:$0x14200] =	vst v63  }
0x11a: {  	s23 =	sadd.s32 $0xF4280, s22;
	s25 =	simm.s32 $0xAA00  }
0x11b: {  	[tilespmem:s25], [sflag:$0x3] =	stream.linear.gather [hbm4b:s23+s3], $0x400, $0x38;
	[tilespmem:$0x14200] =	vst v63  }
0x11c: {  	s23 =	sadd.s32 $0x1E8500, s22;
	s25 =	simm.s32 $0xCA00  }
0x11d: {  	[tilespmem:s25], [sflag:$0x3] =	stream.linear.gather [hbm4b:s23+s3], $0x400, $0x38;
	[tilespmem:$0x14200] =	vst v63  }
0x11e: {  	s22 =	sadd.s32 $0x2DC780, s22;
	s25 =	simm.s32 $0xEA00;
	s23 =	spop (v2sf)  }
0x11f: {  	[tilespmem:s25], [sflag:$0x3] =	stream.linear.gather [hbm4b:s22+s3], $0x400, $0x38;
	[tilespmem:$0x14200] =	vst v63  }
0x120: {  	s22 =	sand.u32 $0xFFFFF80, s23  }
0x121: {  	(v2sf) =	vpush v18, $0xD;
	s25 =	simm.s32 $0x8E00;
	s22 =	sadd.s32 s0, s22  }
0x122: {  	[tilespmem:s25], [sflag:$0x3] =	stream.linear.gather [hbm4b:s22+s3], $0x400, $0x38;
	[tilespmem:$0x14200] =	vst v63  }
0x123: {  	s23 =	sadd.s32 $0xF4280, s22;
	s25 =	simm.s32 $0xAE00  }
0x124: {  	[tilespmem:s25], [sflag:$0x3] =	stream.linear.gather [hbm4b:s23+s3], $0x400, $0x38;
	[tilespmem:$0x14200] =	vst v63  }
0x125: {  	s25 =	sadd.s32 $0x1E8500, s22  }
0x126: {  	[tilespmem:s26], [sflag:$0x3] =	stream.linear.gather [hbm4b:s25+s3], $0x400, $0x38;
	[tilespmem:$0x14200] =	vst v63  }
0x127: {  	s22 =	sadd.s32 $0x2DC780, s22;
	s23 =	spop (v2sf)  }
0x128: {  	[tilespmem:s28], [sflag:$0x3] =	stream.linear.gather [hbm4b:s22+s3], $0x400, $0x38;
	[tilespmem:$0x14200] =	vst v63  }
0x129: {  	s22 =	sand.u32 $0xFFFFF80, s23  }
0x12a: {  	(v2sf) =	vpush v18, $0xE;
	s22 =	sadd.s32 s0, s22  }
0x12b: {  	[tilespmem:s29], [sflag:$0x3] =	stream.linear.gather [hbm4b:s22+s3], $0x400, $0x38;
	[tilespmem:$0x14200] =	vst v63  }
0x12c: {  	s25 =	sadd.s32 $0xF4280, s22  }
0x12d: {  	[tilespmem:s30], [sflag:$0x3] =	stream.linear.gather [hbm4b:s25+s3], $0x400, $0x38;
	[tilespmem:$0x14200] =	vst v63  }
0x12e: {  	s25 =	sadd.s32 $0x1E8500, s22  }
0x12f: {  	[tilespmem:s31], [sflag:$0x3] =	stream.linear.gather [hbm4b:s25+s3], $0x400, $0x38;
	[tilespmem:$0x14200] =	vst v63  }
0x130: {  	s22 =	sadd.s32 $0x2DC780, s22;
	s23 =	spop (v2sf)  }
0x131: {  	[tilespmem:s1], [sflag:$0x3] =	stream.linear.gather [hbm4b:s22+s3], $0x400, $0x38;
	[tilespmem:$0x14200] =	vst v63  }
0x132: {  	s22 =	sand.u32 $0xFFFFF80, s23  }
0x133: {  	(v2sf) =	vpush v18, $0xF;
	s22 =	sadd.s32 s0, s22  }
0x134: {  	[tilespmem:s2], [sflag:$0x3] =	stream.linear.gather [hbm4b:s22+s3], $0x400, $0x38;
	[tilespmem:$0x14200] =	vst v63  }
0x135: {  	s25 =	sadd.s32 $0xF4280, s22  }
0x136: {  	[tilespmem:s4], [sflag:$0x3] =	stream.linear.gather [hbm4b:s25+s3], $0x400, $0x38;
	[tilespmem:$0x14200] =	vst v63  }
0x137: {  	s25 =	sadd.s32 $0x1E8500, s22  }
0x138: {  	[tilespmem:s5], [sflag:$0x3] =	stream.linear.gather [hbm4b:s25+s3], $0x400, $0x38;
	[tilespmem:$0x14200] =	vst v63  }
0x139: {  	s25 =	spop (v2sf)  }
0x13a: {  	s22 =	sadd.s32 $0x2DC780, s22;
	s23 =	sand.u32 $0xFFFFF80, s25  }
0x13b: {  	[tilespmem:s6], [sflag:$0x3] =	stream.linear.gather [hbm4b:s22+s3], $0x400, $0x38;
	[tilespmem:$0x14200] =	vst v63  }
0x13c: {  	s22 =	sadd.s32 s0, s23  }
0x13d: {  	[tilespmem:s7], [sflag:$0x3] =	stream.linear.gather [hbm4b:s22+s3], $0x400, $0x38;
	[tilespmem:$0x14200] =	vst v63  }
0x13e: {  	s25 =	sadd.s32 $0xF4280, s22  }
0x13f: {  	[tilespmem:s9], [sflag:$0x3] =	stream.linear.gather [hbm4b:s25+s3], $0x400, $0x38;
	[tilespmem:$0x14200] =	vst v63  }
0x140: {  	s25 =	sadd.s32 $0x1E8500, s22  }
0x141: {  	[tilespmem:s10], [sflag:$0x3] =	stream.linear.gather [hbm4b:s25+s3], $0x400, $0x38;
	[tilespmem:$0x14200] =	vst v63  }
0x142: {  	s22 =	sadd.s32 $0x2DC780, s22;
	s23 =	spop (v2sf)  }
0x143: {  	[tilespmem:s11], [sflag:$0x3] =	stream.linear.gather [hbm4b:s22+s3], $0x400, $0x38;
	[tilespmem:$0x14200] =	vst v63  }
0x144: {  	s22 =	sand.u32 $0xFFFFF80, s23  }
0x145: {  	s22 =	sadd.s32 s0, s22  }
0x146: {  	[tilespmem:s13], [sflag:$0x3] =	stream.linear.gather [hbm4b:s22+s3], $0x400, $0x38;
	[tilespmem:$0x14200] =	vst v63  }
0x147: {  	s25 =	sadd.s32 $0xF4280, s22  }
0x148: {  	v18 =	vand.u32 $0x7F, v18;
	[tilespmem:s14], [sflag:$0x3] =	stream.linear.gather [hbm4b:s25+s3], $0x400, $0x38;
	[tilespmem:$0x14200] =	vst v63  }
0x149: {  	v19 =	vbroadcast v18, $0x0;
	s25 =	sadd.s32 $0x1E8500, s22  }
0x14a: {  	[tilespmem:s15], [sflag:$0x3] =	stream.linear.gather [hbm4b:s25+s3], $0x400, $0x38;
	[tilespmem:$0x14200] =	vst v63  }
0x14b: {  	v20 =	vor.u32 v0, v19;
	s22 =	sadd.s32 $0x2DC780, s22  }
0x14c: {  	v21 =	vmov s21;
	v19 =	vor.u32 v1, v19;
	[tilespmem:s16], [sflag:$0x3] =	stream.linear.gather [hbm4b:s22+s3], $0x400, $0x38;
	[tilespmem:$0x14200] =	vst v63  }
0x14d: {  	v22 =	vshll.u32 v21, $0x3;
	_ =	swait.ge [sflag:s17], $0x8000  }
0x14e: {  	v21 =	vand.u32 $0x70, v21;
	v22 =	vand.u32 $0xC00, v22;
	[sflag:s17] =	ssyncset.done $0x0  }
0x14f: {  	v21 =	vor.u32 v21, v22;
	[sflag:s17] =	ssyncadd.s32 $0xFFFF8000  }
0x150: {  	v22 =	vor.u32 v2, v21;
	v23 =	vbroadcast v18, $0x1;
	v20 =	vld.idx.msk [tilespmem:v20+s8+$0x0], $0xffff  }
0x151: {  	v21 =	vor.u32 v3, v21;
	v19 =	vld.idx.msk [tilespmem:v19+s8+$0x0], $0xffff  }
0x152: {  	v24 =	vor.u32 v4, v23;
	s25 =	sadd.s32 $0x1, s21  }
0x153: {  	v23 =	vor.u32 v5, v23;
	v25 =	vmov s25  }
0x154: {  	v26 =	vshll.u32 v25, $0x3  }
0x155: {  	v32 =	vand.u32 $0xC00, v26;
	[tilespmem:v22+s18+$0x0] =	vst.idx.msk $0xffff, v20;
	v20 =	vand.u32 $0x71, v25  }
0x156: {  	[tilespmem:v21+s18+$0x0] =	vst.idx.msk $0xffff, v19;
	v19 =	vor.u32 v20, v32  }
0x157: {  	v34 =	vbroadcast v18, $0x2;
	v20 =	vld.idx.msk [tilespmem:v24+s8+$0x0], $0xffff;
	v33 =	vor.u32 v2, v19  }
0x158: {  	v23 =	vld.idx.msk [tilespmem:v23+s8+$0x0], $0xffff;
	v19 =	vor.u32 v3, v19  }
0x159: {  	v35 =	vor.u32 v6, v34;
	s23 =	sadd.s32 $0x2, s21  }
0x15a: {  	v36 =	vmov s23;
	v22 =	vor.u32 v7, v34  }
0x15b: {  	v37 =	vshll.u32 v36, $0x3  }
0x15c: {  	v38 =	vand.u32 $0xC00, v37;
	[tilespmem:v33+s18+$0x0] =	vst.idx.msk $0xffff, v20;
	v20 =	vand.u32 $0x72, v36  }
0x15d: {  	[tilespmem:v19+s18+$0x0] =	vst.idx.msk $0xffff, v23;
	v19 =	vor.u32 v20, v38  }
0x15e: {  	v39 =	vbroadcast v18, $0x3;
	v20 =	vld.idx.msk [tilespmem:v35+s8+$0x0], $0xffff;
	v21 =	vor.u32 v2, v19  }
0x15f: {  	v22 =	vld.idx.msk [tilespmem:v22+s8+$0x0], $0xffff;
	v19 =	vor.u32 v3, v19  }
0x160: {  	v40 =	vor.u32 v8, v39;
	s25 =	sadd.s32 $0x3, s21  }
0x161: {  	v41 =	vmov s25;
	v23 =	vor.u32 v9, v39  }
0x162: {  	v42 =	vshll.u32 v41, $0x3  }
0x163: {  	v43 =	vand.u32 $0xC00, v42;
	[tilespmem:v21+s18+$0x0] =	vst.idx.msk $0xffff, v20;
	v20 =	vand.u32 $0x73, v41  }
0x164: {  	[tilespmem:v19+s18+$0x0] =	vst.idx.msk $0xffff, v22;
	v19 =	vor.u32 v20, v43  }
0x165: {  	v44 =	vbroadcast v18, $0x4;
	v20 =	vld.idx.msk [tilespmem:v40+s8+$0x0], $0xffff;
	v21 =	vor.u32 v2, v19  }
0x166: {  	v23 =	vld.idx.msk [tilespmem:v23+s8+$0x0], $0xffff;
	v19 =	vor.u32 v3, v19  }
0x167: {  	v45 =	vor.u32 v10, v44;
	s23 =	sadd.s32 $0x4, s21  }
0x168: {  	v46 =	vmov s23;
	v22 =	vor.u32 v11, v44  }
0x169: {  	v47 =	vshll.u32 v46, $0x3  }
0x16a: {  	v48 =	vand.u32 $0xC00, v47;
	[tilespmem:v21+s18+$0x0] =	vst.idx.msk $0xffff, v20;
	v20 =	vand.u32 $0x74, v46  }
0x16b: {  	[tilespmem:v19+s18+$0x0] =	vst.idx.msk $0xffff, v23;
	v19 =	vor.u32 v20, v48  }
0x16c: {  	v49 =	vbroadcast v18, $0x5;
	v20 =	vld.idx.msk [tilespmem:v45+s8+$0x0], $0xffff;
	v21 =	vor.u32 v2, v19  }
0x16d: {  	v22 =	vld.idx.msk [tilespmem:v22+s8+$0x0], $0xffff;
	v19 =	vor.u32 v3, v19  }
0x16e: {  	v50 =	vor.u32 v12, v49;
	s25 =	sadd.s32 $0x5, s21  }
0x16f: {  	v51 =	vmov s25;
	v23 =	vor.u32 v13, v49  }
0x170: {  	v52 =	vshll.u32 v51, $0x3  }
0x171: {  	v53 =	vand.u32 $0xC00, v52;
	[tilespmem:v21+s18+$0x0] =	vst.idx.msk $0xffff, v20;
	v20 =	vand.u32 $0x75, v51  }
0x172: {  	[tilespmem:v19+s18+$0x0] =	vst.idx.msk $0xffff, v22;
	v19 =	vor.u32 v20, v53  }
0x173: {  	v54 =	vbroadcast v18, $0x6;
	v20 =	vld.idx.msk [tilespmem:v50+s8+$0x0], $0xffff;
	v21 =	vor.u32 v2, v19  }
0x174: {  	v23 =	vld.idx.msk [tilespmem:v23+s8+$0x0], $0xffff;
	v19 =	vor.u32 v3, v19  }
0x175: {  	v55 =	vor.u32 v14, v54;
	s23 =	sadd.s32 $0x6, s21  }
0x176: {  	v56 =	vmov s23;
	v22 =	vor.u32 v15, v54  }
0x177: {  	v57 =	vshll.u32 v56, $0x3  }
0x178: {  	v58 =	vand.u32 $0xC00, v57;
	[tilespmem:v21+s18+$0x0] =	vst.idx.msk $0xffff, v20;
	v20 =	vand.u32 $0x76, v56  }
0x179: {  	[tilespmem:v19+s18+$0x0] =	vst.idx.msk $0xffff, v23;
	v19 =	vor.u32 v20, v58  }
0x17a: {  	v59 =	vbroadcast v18, $0x7;
	v20 =	vld.idx.msk [tilespmem:v55+s8+$0x0], $0xffff;
	v21 =	vor.u32 v2, v19  }
0x17b: {  	v22 =	vld.idx.msk [tilespmem:v22+s8+$0x0], $0xffff;
	v19 =	vor.u32 v3, v19  }
0x17c: {  	v60 =	vor.u32 v16, v59;
	s25 =	sadd.s32 $0x7, s21  }
0x17d: {  	v61 =	vmov s25;
	v23 =	vor.u32 v17, v59  }
0x17e: {  	v62 =	vshll.u32 v61, $0x3  }
0x17f: {  	v63 =	vand.u32 $0xC00, v62;
	[tilespmem:v21+s18+$0x0] =	vst.idx.msk $0xffff, v20;
	v20 =	vand.u32 $0x77, v61  }
0x180: {  	[tilespmem:v19+s18+$0x0] =	vst.idx.msk $0xffff, v22;
	v19 =	vor.u32 v20, v63  }
0x181: {  	v20 =	vld.idx.msk [tilespmem:v60+s8+$0x0], $0xffff;
	v21 =	vor.u32 v2, v19  }
0x182: {  	p0 =	seq.s32 s21, $0x1F0;
	v22 =	vld.idx.msk [tilespmem:v23+s8+$0x0], $0xffff;
	v19 =	vor.u32 v3, v19  }
.Ltmp4:
0x183: {  	_ = 	snop;
	(pc) =	sbr.rel @p0 .LBB2_4-.Ltmp4, $3  }
0x184: {  	_ =	sdelay $0x1  }
0x185: {  	[tilespmem:v21+s18+$0x0] =	vst.idx.msk $0xffff, v20  }
0x186: {  	[tilespmem:v19+s18+$0x0] =	vst.idx.msk $0xffff, v22  }
0x187: {  	v19 =	vld [tilespmem:s20+$0x0];
	_ =	sdelay $0x4  }
0x188: {  	(v2sf) =	vpush v19, $0x0;
	_ =	sdelay $0x7  }
0x189: {  	(v2sf) =	vpush v19, $0x1;
	_ =	sdelay $0x6  }
0x18a: {  	s22 =	spop (v2sf)  }
0x18b: {  	s22 =	sand.u32 $0xFFFFF80, s22  }
0x18c: {  	(v2sf) =	vpush v19, $0x2;
	s22 =	sadd.s32 s0, s22  }
0x18d: {  	[tilespmem:s8], [sflag:$0x2] =	stream.linear.gather [hbm4b:s22+s3], $0x400, $0x38;
	[tilespmem:$0x14200] =	vst v63  }
0x18e: {  	s24 =	simm.s32 $0x2200;
	s23 =	sadd.s32 $0xF4280, s22  }
0x18f: {  	[tilespmem:s24], [sflag:$0x2] =	stream.linear.gather [hbm4b:s23+s3], $0x400, $0x38;
	[tilespmem:$0x14200] =	vst v63  }
0x190: {  	s25 =	simm.s32 $0x4200;
	s24 =	sadd.s32 $0x1E8500, s22  }
0x191: {  	[tilespmem:s25], [sflag:$0x2] =	stream.linear.gather [hbm4b:s24+s3], $0x400, $0x38;
	[tilespmem:$0x14200] =	vst v63  }
0x192: {  	s22 =	sadd.s32 $0x2DC780, s22;
	s25 =	simm.s32 $0x6200;
	s24 =	spop (v2sf)  }
0x193: {  	[tilespmem:s25], [sflag:$0x2] =	stream.linear.gather [hbm4b:s22+s3], $0x400, $0x38;
	[tilespmem:$0x14200] =	vst v63  }
0x194: {  	s22 =	sand.u32 $0xFFFFF80, s24  }
0x195: {  	(v2sf) =	vpush v19, $0x3;
	s25 =	simm.s32 $0x600;
	s22 =	sadd.s32 s0, s22  }
0x196: {  	[tilespmem:s25], [sflag:$0x2] =	stream.linear.gather [hbm4b:s22+s3], $0x400, $0x38;
	[tilespmem:$0x14200] =	vst v63  }
0x197: {  	s24 =	sadd.s32 $0xF4280, s22;
	s25 =	simm.s32 $0x2600  }
0x198: {  	[tilespmem:s25], [sflag:$0x2] =	stream.linear.gather [hbm4b:s24+s3], $0x400, $0x38;
	[tilespmem:$0x14200] =	vst v63  }
0x199: {  	s24 =	sadd.s32 $0x1E8500, s22;
	s25 =	simm.s32 $0x4600  }
0x19a: {  	[tilespmem:s25], [sflag:$0x2] =	stream.linear.gather [hbm4b:s24+s3], $0x400, $0x38;
	[tilespmem:$0x14200] =	vst v63  }
0x19b: {  	s22 =	sadd.s32 $0x2DC780, s22;
	s25 =	simm.s32 $0x6600;
	s24 =	spop (v2sf)  }
0x19c: {  	[tilespmem:s25], [sflag:$0x2] =	stream.linear.gather [hbm4b:s22+s3], $0x400, $0x38;
	[tilespmem:$0x14200] =	vst v63  }
0x19d: {  	s22 =	sand.u32 $0xFFFFF80, s24  }
0x19e: {  	(v2sf) =	vpush v19, $0x4;
	s25 =	simm.s32 $0xA00;
	s22 =	sadd.s32 s0, s22  }
0x19f: {  	[tilespmem:s25], [sflag:$0x2] =	stream.linear.gather [hbm4b:s22+s3], $0x400, $0x38;
	[tilespmem:$0x14200] =	vst v63  }
0x1a0: {  	s24 =	sadd.s32 $0xF4280, s22;
	s25 =	simm.s32 $0x2A00  }
0x1a1: {  	[tilespmem:s25], [sflag:$0x2] =	stream.linear.gather [hbm4b:s24+s3], $0x400, $0x38;
	[tilespmem:$0x14200] =	vst v63  }
0x1a2: {  	s24 =	sadd.s32 $0x1E8500, s22;
	s25 =	simm.s32 $0x4A00  }
0x1a3: {  	[tilespmem:s25], [sflag:$0x2] =	stream.linear.gather [hbm4b:s24+s3], $0x400, $0x38;
	[tilespmem:$0x14200] =	vst v63  }
0x1a4: {  	s22 =	sadd.s32 $0x2DC780, s22;
	s25 =	simm.s32 $0x6A00;
	s24 =	spop (v2sf)  }
0x1a5: {  	[tilespmem:s25], [sflag:$0x2] =	stream.linear.gather [hbm4b:s22+s3], $0x400, $0x38;
	[tilespmem:$0x14200] =	vst v63  }
0x1a6: {  	s22 =	sand.u32 $0xFFFFF80, s24  }
0x1a7: {  	(v2sf) =	vpush v19, $0x5;
	s25 =	simm.s32 $0xE00;
	s22 =	sadd.s32 s0, s22  }
0x1a8: {  	[tilespmem:s25], [sflag:$0x2] =	stream.linear.gather [hbm4b:s22+s3], $0x400, $0x38;
	[tilespmem:$0x14200] =	vst v63  }
0x1a9: {  	s24 =	sadd.s32 $0xF4280, s22;
	s25 =	simm.s32 $0x2E00  }
0x1aa: {  	[tilespmem:s25], [sflag:$0x2] =	stream.linear.gather [hbm4b:s24+s3], $0x400, $0x38;
	[tilespmem:$0x14200] =	vst v63  }
0x1ab: {  	s24 =	sadd.s32 $0x1E8500, s22;
	s25 =	simm.s32 $0x4E00  }
0x1ac: {  	[tilespmem:s25], [sflag:$0x2] =	stream.linear.gather [hbm4b:s24+s3], $0x400, $0x38;
	[tilespmem:$0x14200] =	vst v63  }
0x1ad: {  	s22 =	sadd.s32 $0x2DC780, s22;
	s25 =	simm.s32 $0x6E00;
	s24 =	spop (v2sf)  }
0x1ae: {  	[tilespmem:s25], [sflag:$0x2] =	stream.linear.gather [hbm4b:s22+s3], $0x400, $0x38;
	[tilespmem:$0x14200] =	vst v63  }
0x1af: {  	(v2sf) =	vpush v19, $0x6;
	s22 =	sand.u32 $0xFFFFF80, s24  }
0x1b0: {  	s25 =	simm.s32 $0x1200;
	s22 =	sadd.s32 s0, s22  }
0x1b1: {  	[tilespmem:s25], [sflag:$0x2] =	stream.linear.gather [hbm4b:s22+s3], $0x400, $0x38;
	[tilespmem:$0x14200] =	vst v63  }
0x1b2: {  	s24 =	sadd.s32 $0xF4280, s22;
	s25 =	simm.s32 $0x3200  }
0x1b3: {  	[tilespmem:s25], [sflag:$0x2] =	stream.linear.gather [hbm4b:s24+s3], $0x400, $0x38;
	[tilespmem:$0x14200] =	vst v63  }
0x1b4: {  	s24 =	sadd.s32 $0x1E8500, s22;
	s25 =	simm.s32 $0x5200  }
0x1b5: {  	[tilespmem:s25], [sflag:$0x2] =	stream.linear.gather [hbm4b:s24+s3], $0x400, $0x38;
	[tilespmem:$0x14200] =	vst v63  }
0x1b6: {  	s22 =	sadd.s32 $0x2DC780, s22;
	s25 =	simm.s32 $0x7200;
	s24 =	spop (v2sf)  }
0x1b7: {  	[tilespmem:s25], [sflag:$0x2] =	stream.linear.gather [hbm4b:s22+s3], $0x400, $0x38;
	[tilespmem:$0x14200] =	vst v63  }
0x1b8: {  	s22 =	sand.u32 $0xFFFFF80, s24  }
0x1b9: {  	(v2sf) =	vpush v19, $0x7;
	s25 =	simm.s32 $0x1600;
	s22 =	sadd.s32 s0, s22  }
0x1ba: {  	[tilespmem:s25], [sflag:$0x2] =	stream.linear.gather [hbm4b:s22+s3], $0x400, $0x38;
	[tilespmem:$0x14200] =	vst v63  }
0x1bb: {  	s24 =	sadd.s32 $0xF4280, s22;
	s25 =	simm.s32 $0x3600  }
0x1bc: {  	[tilespmem:s25], [sflag:$0x2] =	stream.linear.gather [hbm4b:s24+s3], $0x400, $0x38;
	[tilespmem:$0x14200] =	vst v63  }
0x1bd: {  	s24 =	sadd.s32 $0x1E8500, s22  }
0x1be: {  	s25 =	simm.s32 $0x5600;
	s22 =	sadd.s32 $0x2DC780, s22;
	s23 =	spop (v2sf)  }
0x1bf: {  	[tilespmem:s25], [sflag:$0x2] =	stream.linear.gather [hbm4b:s24+s3], $0x400, $0x38;
	[tilespmem:$0x14200] =	vst v63  }
0x1c0: {  	s25 =	simm.s32 $0x7600;
	s24 =	sand.u32 $0xFFFFF80, s23  }
0x1c1: {  	[tilespmem:s25], [sflag:$0x2] =	stream.linear.gather [hbm4b:s22+s3], $0x400, $0x38;
	[tilespmem:$0x14200] =	vst v63  }
0x1c2: {  	s22 =	sadd.s32 s0, s24;
	s25 =	simm.s32 $0x1A00  }
0x1c3: {  	[tilespmem:s25], [sflag:$0x2] =	stream.linear.gather [hbm4b:s22+s3], $0x400, $0x38;
	[tilespmem:$0x14200] =	vst v63  }
0x1c4: {  	s24 =	sadd.s32 $0xF4280, s22;
	s25 =	simm.s32 $0x3A00  }
0x1c5: {  	[tilespmem:s25], [sflag:$0x2] =	stream.linear.gather [hbm4b:s24+s3], $0x400, $0x38;
	[tilespmem:$0x14200] =	vst v63  }
0x1c6: {  	s24 =	sadd.s32 $0x1E8500, s22;
	s25 =	simm.s32 $0x5A00  }
0x1c7: {  	[tilespmem:s25], [sflag:$0x2] =	stream.linear.gather [hbm4b:s24+s3], $0x400, $0x38;
	[tilespmem:$0x14200] =	vst v63  }
0x1c8: {  	s22 =	sadd.s32 $0x2DC780, s22;
	s25 =	simm.s32 $0x7A00;
	s24 =	spop (v2sf)  }
0x1c9: {  	[tilespmem:s25], [sflag:$0x2] =	stream.linear.gather [hbm4b:s22+s3], $0x400, $0x38;
	[tilespmem:$0x14200] =	vst v63  }
0x1ca: {  	s22 =	sand.u32 $0xFFFFF80, s24  }
0x1cb: {  	s25 =	simm.s32 $0x1E00;
	s22 =	sadd.s32 s0, s22  }
0x1cc: {  	[tilespmem:s25], [sflag:$0x2] =	stream.linear.gather [hbm4b:s22+s3], $0x400, $0x38;
	[tilespmem:$0x14200] =	vst v63  }
0x1cd: {  	s24 =	sadd.s32 $0xF4280, s22;
	s25 =	simm.s32 $0x3E00  }
0x1ce: {  	[tilespmem:s25], [sflag:$0x2] =	stream.linear.gather [hbm4b:s24+s3], $0x400, $0x38;
	[tilespmem:$0x14200] =	vst v63  }
.Ltmp5:
0x1cf: {  	_ = 	snop;
	(pc) =	sbr.rel .LBB2_4-.Ltmp5, $4  }
0x1d0: {  	s24 =	sadd.s32 $0x1E8500, s22;
	s25 =	simm.s32 $0x5E00  }
0x1d1: {  	[tilespmem:s25], [sflag:$0x2] =	stream.linear.gather [hbm4b:s24+s3], $0x400, $0x38;
	[tilespmem:$0x14200] =	vst v63  }
0x1d2: {  	s22 =	sadd.s32 $0x2DC780, s22;
	s24 =	simm.s32 $0xA200;
	s25 =	simm.s32 $0x7E00  }
0x1d3: {  	[tilespmem:s25], [sflag:$0x2] =	stream.linear.gather [hbm4b:s22+s3], $0x400, $0x38;
	[tilespmem:$0x14200] =	vst v63  }
.LBB2_6:
0x1d4: {  	_ =	sfence.sel $0x180000  }
0x1d5: {  	[bflag:$0x0] =	sbarrier.arrive $0xFFFF  }
0x1d6: {  	_ =	strace $0x90000047  }
0x1d7: {  	s0 =	stileid.u32;
	[bflag:$0x2] =	sbarrier.arrive $0xFFFF  }
0x1d8: {  	p0 =	sne.s32 s0, $0x0;
	s0 =	rddreg [dreg:$0x3]  }
0x1d9: {  	s0 =	sadd.s32 @!p0 $0x100000, s0  }
0x1da: {  	[sflag:s0] =	ssyncadd.tile.s32 @!p0 $0x1;
	_ =	shalt  }
.Lfunc_end2:
_tile_overlayer_lowered:
.L_overlay_start_2:
0x1db: {  	(tag) =	ssettag $0x2  }
0x1dc: {  	s0 =	rddreg [dreg:$0x0];
	s2 =	stileid.u32  }
0x1dd: {  	s1 =	rddreg [dreg:$0x1];
	p0 =	sne.s32 s2, $0x0  }
0x1de: {  	s3 =	rddreg [dreg:$0x2];
	[bflag:$0x3] =	sbarrier.arrive $0xFFFF;
	s2 =	simm.s32 @!p0 $0x1C04  }
0x1df: {  	[timem:s3], [sflag:s2] =	dma.local @!p0 [hbm:s0], s1  }
0x1e0: {  	s0 =	simm.s32 @!p0 $0x4  }
0x1e1: {  	_ =	swait.ge @!p0 [sflag:s0], s1  }
0x1e2: {  	s1 =	ssub.s32 @!p0 $0x0, s1;
	[sflag:s0] =	ssyncset.done @!p0 $0x0  }
0x1e3: {  	[sflag:s0] =	ssyncadd.s32 @!p0 s1  }
0x1e4: {  	[bflag:$0x3] =	sbarrier.arrive $0xFFFF  }
0x1e5: {  	_ =	shalt  }

</sc_bundles>
